<compile_context>
chip_gen: v7x
topology: tpu7x:2x2x1
jax: 0.10.2.dev20260603
libtpu: 0.0.44.dev20260713+nightly
codegen_flags: <defaults>
</compile_context>

<pallas_src>
import functools

import jax
import jax.numpy as jnp
from jax import lax
from jax.experimental import pallas as pl
from jax.experimental.pallas import tpu as pltpu
from jax.experimental.pallas import tpu_sc as plsc

H = 512
W = 512
D = 128
LANES = 16
NUM_WORKERS = 32
R_PER_WORKER = H // NUM_WORKERS
CHUNK = 128
CHUNKS_PER_R = W // CHUNK
STEPS = R_PER_WORKER * CHUNKS_PER_R


def _make_sc_kernel():
    mesh = plsc.VectorSubcoreMesh(core_axis_name="c", subcore_axis_name="s")

    @functools.partial(
        pl.kernel,
        mesh=mesh,
        out_type=jax.ShapeDtypeStruct((H * W, D), jnp.float32),
        scratch_types=[
            pltpu.VMEM((H, D), jnp.float32),
            pltpu.VMEM((CHUNK, D), jnp.float32),
            pltpu.VMEM((CHUNK, D), jnp.float32),
            pltpu.SemaphoreType.DMA,
            pltpu.SemaphoreType.DMA,
        ],
    )
    def sc_encode(pe_hbm, out_hbm, pe_all, buf0, buf1, sem0, sem1):
        cid = lax.axis_index("c")
        sid = lax.axis_index("s")
        wid = sid * 2 + cid
        r_base = wid * R_PER_WORKER

        pltpu.sync_copy(pe_hbm.at[pl.ds(0, H)], pe_all)

        bufs = (buf0, buf1)
        sems = (sem0, sem1)

        def compute_chunk(step, buf):
            r = r_base + step // CHUNKS_PER_R
            c0 = (step % CHUNKS_PER_R) * CHUNK
            pe_r = [pe_all[r, pl.ds(LANES * d, LANES)]
                    for d in range(D // LANES)]

            @plsc.parallel_loop(0, CHUNK, unroll=4)
            def cbody(i):
                c = c0 + i
                for d in range(D // LANES):
                    buf[i, pl.ds(LANES * d, LANES)] = (
                        pe_all[c, pl.ds(LANES * d, LANES)] + pe_r[d])

        def out_row(step):
            r = r_base + step // CHUNKS_PER_R
            c0 = (step % CHUNKS_PER_R) * CHUNK
            return r * W + c0

        for b in range(2):
            step = jnp.int32(b)
            compute_chunk(step, bufs[b])
            pltpu.async_copy(
                bufs[b], out_hbm.at[pl.ds(out_row(step), CHUNK)], sems[b])

        def sbody(s2, carry):
            for b in range(2):
                step = s2 * 2 + b
                pltpu.make_async_copy(
                    bufs[b], out_hbm.at[pl.ds(0, CHUNK)], sems[b]).wait()
                compute_chunk(step, bufs[b])
                pltpu.async_copy(
                    bufs[b], out_hbm.at[pl.ds(out_row(step), CHUNK)], sems[b])
            return carry

        lax.fori_loop(1, STEPS // 2, sbody, 0)

        for b in range(2):
            pltpu.make_async_copy(
                bufs[b], out_hbm.at[pl.ds(0, CHUNK)], sems[b]).wait()

    return sc_encode


_SC_ENCODE = _make_sc_kernel()


def kernel(h, w, pe):
    del h, w
    return _SC_ENCODE(pe)

# --- scband reference (transcript-rebuilt; emitter-appended) ---
"""Pipeline reference for scband-sinusoidal-position-encoding-12283606468153 (READ-ONLY COPY).

The authoritative reference and input builder live on the scoring server;
editing this copy changes nothing except your own understanding.
"""

import jax, jax.numpy as jnp
import numpy as np
import math


def _make_pe(max_len, embed_dim):
    pe = np.zeros((max_len, embed_dim), dtype=np.float32)
    position = np.arange(0, max_len, dtype=np.float32)[:, None]
    div_term = np.exp(np.arange(0, embed_dim, 2, dtype=np.float32) * -(math.log(10000.0) / embed_dim))
    pe[:, 0::2] = np.sin(position * div_term)
    pe[:, 1::2] = np.cos(position * div_term)
    return jnp.asarray(pe)


def setup_inputs() -> dict:
    embed_dim = 128
    max_len = 10000
    pe = _make_pe(max_len, embed_dim)
    h = 512
    w = 512
    return {"h": h, "w": w, "pe": pe}


def reference(h, w, pe):
    max_len = pe.shape[0]
    H = 512
    W = 512
    hh = jnp.asarray(h, dtype=jnp.int32)
    ww = jnp.asarray(w, dtype=jnp.int32)
    idx = jnp.arange(H * W, dtype=jnp.int32)
    pos_h = (idx // ww) % hh
    pos_w = idx % ww
    pe_h = jnp.take(pe, pos_h % max_len, axis=0)
    pe_w = jnp.take(pe, pos_w % max_len, axis=0)
    pe_2d = pe_h + pe_w
    return pe_2d

if __name__ == "__main__":
    import jax
    _d = setup_inputs()
    print(jax.jit(kernel)(*tuple(_d.values())))

</pallas_src>

<mosaic_0001>
#map = affine_map<(d0, d1) -> (0, 0)>
module attributes {stable_mosaic.version = 14 : i64} {
  func.func @sc_encode(%arg0: i32, %arg1: i32, %arg2: memref<10000x128xf32, #tpu.memory_space<hbm>>, %arg3: memref<262144x128xf32, #tpu.memory_space<hbm>>, %arg4: memref<512x128xf32, #tpu.memory_space<vmem>>, %arg5: memref<128x128xf32, #tpu.memory_space<vmem>>, %arg6: memref<128x128xf32, #tpu.memory_space<vmem>>, %arg7: memref<!tpu.dma_semaphore, #tpu.memory_space<semaphore_mem>>, %arg8: memref<!tpu.dma_semaphore, #tpu.memory_space<semaphore_mem>>) attributes {dimension_semantics = [#tpu.dimension_semantics<core_parallel>, #tpu.dimension_semantics<subcore_parallel>], iteration_bounds = array<i64: 2, 16>, scalar_prefetch = 0 : i64, scratch_operands = 5 : i64, tpu.core_type = #tpu.core_type<sc_vector_subcore>, window_params = [{transform_indices = #map}, {transform_indices = #map}]} {
    %mul3A = arith.constant 2 : i32
    %mul3A_0 = arith.muli %arg1, %mul3A : i32
    %add3A = arith.addi %mul3A_0, %arg0 : i32
    %mul3A_1 = arith.constant 16 : i32
    %mul3A_2 = arith.muli %add3A, %mul3A_1 : i32
    "tpu.region"() ({
      %run_scoped3A = tpu.sem_alloc : memref<!tpu.dma_semaphore, #tpu.memory_space<semaphore_mem>>
      %dma_start3A_270 = arith.constant 0 : i32
      %dma_start3A_271 = arith.constant 0 : i32
      %dma_start3A_272 = tpu.memref_slice %arg2[%dma_start3A_270, %dma_start3A_271] : memref<10000x128xf32, #tpu.memory_space<hbm>> -> memref<512x128xf32, #tpu.memory_space<hbm>>
      %dma_start3A_273 = arith.constant 0 : i32
      %dma_start3A_274 = arith.constant 0 : i32
      %dma_start3A_275 = tpu.memref_slice %arg2[%dma_start3A_273, %dma_start3A_274] : memref<10000x128xf32, #tpu.memory_space<hbm>> -> memref<512x128xf32, #tpu.memory_space<hbm>>
      tpu.enqueue_dma source(%dma_start3A_275 : memref<512x128xf32, #tpu.memory_space<hbm>>) target(%arg4 : memref<512x128xf32, #tpu.memory_space<vmem>>) target_semaphore(%run_scoped3A : memref<!tpu.dma_semaphore, #tpu.memory_space<semaphore_mem>>)
      %dma_wait3A_276 = arith.constant 0 : i32
      %dma_wait3A_277 = arith.constant 0 : i32
      %dma_wait3A_278 = tpu.memref_slice %arg2[%dma_wait3A_276, %dma_wait3A_277] : memref<10000x128xf32, #tpu.memory_space<hbm>> -> memref<512x128xf32, #tpu.memory_space<hbm>>
      %dma_wait3A_279 = arith.constant 0 : i32
      %dma_wait3A_280 = arith.constant 0 : i32
      %dma_wait3A_281 = tpu.memref_slice %arg2[%dma_wait3A_279, %dma_wait3A_280] : memref<10000x128xf32, #tpu.memory_space<hbm>> -> memref<512x128xf32, #tpu.memory_space<hbm>>
      tpu.wait_dma2 semaphore(%run_scoped3A : memref<!tpu.dma_semaphore, #tpu.memory_space<semaphore_mem>>) src(%dma_wait3A_281 : memref<512x128xf32, #tpu.memory_space<hbm>>) dst(%arg4 : memref<512x128xf32, #tpu.memory_space<vmem>>)
      tpu.yield
    }) : () -> ()
    %jit3A = arith.constant 0 : i32
    %jit3A_3 = arith.constant 4 : i32
    %div3A = arith.divsi %jit3A, %jit3A_3 : i32
    %sign3A = arith.constant 0 : i32
    %sign3A_4 = arith.cmpi sgt, %jit3A, %sign3A : i32
    %sign3A_5 = arith.extui %sign3A_4 : i1 to i32
    %sign3A_6 = arith.constant 0 : i32
    %sign3A_7 = arith.cmpi slt, %jit3A, %sign3A_6 : i32
    %sign3A_8 = arith.extui %sign3A_7 : i1 to i32
    %sign3A_9 = arith.subi %sign3A_5, %sign3A_8 : i32
    %sign3A_10 = arith.constant 0 : i32
    %sign3A_11 = arith.cmpi sgt, %jit3A_3, %sign3A_10 : i32
    %sign3A_12 = arith.extui %sign3A_11 : i1 to i32
    %sign3A_13 = arith.constant 0 : i32
    %sign3A_14 = arith.cmpi slt, %jit3A_3, %sign3A_13 : i32
    %sign3A_15 = arith.extui %sign3A_14 : i1 to i32
    %sign3A_16 = arith.subi %sign3A_12, %sign3A_15 : i32
    %ne3A = arith.cmpi ne, %sign3A_9, %sign3A_16 : i32
    %rem3A = arith.remsi %jit3A, %jit3A_3 : i32
    %ne3A_17 = arith.constant 0 : i32
    %ne3A_18 = arith.cmpi ne, %rem3A, %ne3A_17 : i32
    %and3A = arith.andi %ne3A, %ne3A_18 : i1
    %sub3A = arith.constant 1 : i32
    %sub3A_19 = arith.subi %div3A, %sub3A : i32
    %select_n3A = arith.select %and3A, %sub3A_19, %div3A : i32
    %add3A_20 = arith.addi %mul3A_2, %select_n3A : i32
    %jit3A_21 = arith.constant 0 : i32
    %jit3A_22 = arith.constant 4 : i32
    %eq3A = arith.constant 0 : i32
    %eq3A_23 = arith.cmpi eq, %jit3A_22, %eq3A : i32
    %jit3A_24 = arith.constant 1 : i32
    %select_n3A_25 = arith.select %eq3A_23, %jit3A_24, %jit3A_22 : i32
    %rem3A_26 = arith.remsi %jit3A_21, %select_n3A_25 : i32
    %ne3A_27 = arith.constant 0 : i32
    %ne3A_28 = arith.cmpi ne, %rem3A_26, %ne3A_27 : i32
    %lt3A = arith.constant 0 : i32
    %lt3A_29 = arith.cmpi slt, %rem3A_26, %lt3A : i32
    %lt3A_30 = arith.constant 0 : i32
    %lt3A_31 = arith.cmpi slt, %select_n3A_25, %lt3A_30 : i32
    %ne3A_32 = arith.xori %lt3A_29, %lt3A_31 : i1
    %and3A_33 = arith.andi %ne3A_32, %ne3A_28 : i1
    %add3A_34 = arith.addi %rem3A_26, %select_n3A_25 : i32
    %select_n3A_35 = arith.select %and3A_33, %add3A_34, %rem3A_26 : i32
    %mul3A_36 = arith.constant 128 : i32
    %mul3A_37 = arith.muli %select_n3A_35, %mul3A_36 : i32
    %get3A = arith.index_cast %add3A_20 : i32 to index
    %get3A_38 = arith.constant 0 : index
    %get3A_39 = tpu.vector_load %arg4[%get3A, %get3A_38] {strides = array<i32>} : memref<512x128xf32, #tpu.memory_space<vmem>>, vector<1x16xf32>,
    %get3A_40 = vector.shape_cast %get3A_39 : vector<1x16xf32> to vector<16xf32>
    %get3A_41 = arith.index_cast %add3A_20 : i32 to index
    %get3A_42 = arith.constant 16 : index
    %get3A_43 = tpu.vector_load %arg4[%get3A_41, %get3A_42] {strides = array<i32>} : memref<512x128xf32, #tpu.memory_space<vmem>>, vector<1x16xf32>,
    %get3A_44 = vector.shape_cast %get3A_43 : vector<1x16xf32> to vector<16xf32>
    %get3A_45 = arith.index_cast %add3A_20 : i32 to index
    %get3A_46 = arith.constant 32 : index
    %get3A_47 = tpu.vector_load %arg4[%get3A_45, %get3A_46] {strides = array<i32>} : memref<512x128xf32, #tpu.memory_space<vmem>>, vector<1x16xf32>,
    %get3A_48 = vector.shape_cast %get3A_47 : vector<1x16xf32> to vector<16xf32>
    %get3A_49 = arith.index_cast %add3A_20 : i32 to index
    %get3A_50 = arith.constant 48 : index
    %get3A_51 = tpu.vector_load %arg4[%get3A_49, %get3A_50] {strides = array<i32>} : memref<512x128xf32, #tpu.memory_space<vmem>>, vector<1x16xf32>,
    %get3A_52 = vector.shape_cast %get3A_51 : vector<1x16xf32> to vector<16xf32>
    %get3A_53 = arith.index_cast %add3A_20 : i32 to index
    %get3A_54 = arith.constant 64 : index
    %get3A_55 = tpu.vector_load %arg4[%get3A_53, %get3A_54] {strides = array<i32>} : memref<512x128xf32, #tpu.memory_space<vmem>>, vector<1x16xf32>,
    %get3A_56 = vector.shape_cast %get3A_55 : vector<1x16xf32> to vector<16xf32>
    %get3A_57 = arith.index_cast %add3A_20 : i32 to index
    %get3A_58 = arith.constant 80 : index
    %get3A_59 = tpu.vector_load %arg4[%get3A_57, %get3A_58] {strides = array<i32>} : memref<512x128xf32, #tpu.memory_space<vmem>>, vector<1x16xf32>,
    %get3A_60 = vector.shape_cast %get3A_59 : vector<1x16xf32> to vector<16xf32>
    %get3A_61 = arith.index_cast %add3A_20 : i32 to index
    %get3A_62 = arith.constant 96 : index
    %get3A_63 = tpu.vector_load %arg4[%get3A_61, %get3A_62] {strides = array<i32>} : memref<512x128xf32, #tpu.memory_space<vmem>>, vector<1x16xf32>,
    %get3A_64 = vector.shape_cast %get3A_63 : vector<1x16xf32> to vector<16xf32>
    %get3A_65 = arith.index_cast %add3A_20 : i32 to index
    %get3A_66 = arith.constant 112 : index
    %get3A_67 = tpu.vector_load %arg4[%get3A_65, %get3A_66] {strides = array<i32>} : memref<512x128xf32, #tpu.memory_space<vmem>>, vector<1x16xf32>,
    %get3A_68 = vector.shape_cast %get3A_67 : vector<1x16xf32> to vector<16xf32>
    %parallel_loop3A = arith.constant 0 : i32
    %parallel_loop3A_69 = arith.constant 128 : i32
    %parallel_loop3A_70 = arith.constant 1 : i32
    scf.for %parallel_loop3A_270 = %parallel_loop3A to %parallel_loop3A_69 step %parallel_loop3A_70  : i32 {
      %parallel_loop3A_271 = arith.addi %mul3A_37, %parallel_loop3A_270 : i32
      %parallel_loop3A_272 = arith.index_cast %parallel_loop3A_271 : i32 to index
      %parallel_loop3A_273 = arith.constant 0 : index
      %parallel_loop3A_274 = tpu.vector_load %arg4[%parallel_loop3A_272, %parallel_loop3A_273] {strides = array<i32>} : memref<512x128xf32, #tpu.memory_space<vmem>>, vector<1x16xf32>,
      %parallel_loop3A_275 = vector.shape_cast %parallel_loop3A_274 : vector<1x16xf32> to vector<16xf32>
      %parallel_loop3A_276 = arith.addf %parallel_loop3A_275, %get3A_40 : vector<16xf32>
      %parallel_loop3A_277 = arith.index_cast %parallel_loop3A_270 : i32 to index
      %parallel_loop3A_278 = arith.constant 0 : index
      %parallel_loop3A_279 = tpu.vector_load %arg5[%parallel_loop3A_277, %parallel_loop3A_278] {strides = array<i32>} : memref<128x128xf32, #tpu.memory_space<vmem>>, vector<1x16xf32>,
      %parallel_loop3A_280 = vector.shape_cast %parallel_loop3A_279 : vector<1x16xf32> to vector<16xf32>
      %parallel_loop3A_281 = vector.shape_cast %parallel_loop3A_276 : vector<16xf32> to vector<1x16xf32>
      tpu.vector_store %arg5[%parallel_loop3A_277, %parallel_loop3A_278], %parallel_loop3A_281 {strides = array<i32>} : memref<128x128xf32, #tpu.memory_space<vmem>>, vector<1x16xf32>,
      %parallel_loop3A_282 = arith.index_cast %parallel_loop3A_271 : i32 to index
      %parallel_loop3A_283 = arith.constant 16 : index
      %parallel_loop3A_284 = tpu.vector_load %arg4[%parallel_loop3A_282, %parallel_loop3A_283] {strides = array<i32>} : memref<512x128xf32, #tpu.memory_space<vmem>>, vector<1x16xf32>,
      %parallel_loop3A_285 = vector.shape_cast %parallel_loop3A_284 : vector<1x16xf32> to vector<16xf32>
      %parallel_loop3A_286 = arith.addf %parallel_loop3A_285, %get3A_44 : vector<16xf32>
      %parallel_loop3A_287 = arith.index_cast %parallel_loop3A_270 : i32 to index
      %parallel_loop3A_288 = arith.constant 16 : index
      %parallel_loop3A_289 = tpu.vector_load %arg5[%parallel_loop3A_287, %parallel_loop3A_288] {strides = array<i32>} : memref<128x128xf32, #tpu.memory_space<vmem>>, vector<1x16xf32>,
      %parallel_loop3A_290 = vector.shape_cast %parallel_loop3A_289 : vector<1x16xf32> to vector<16xf32>
      %parallel_loop3A_291 = vector.shape_cast %parallel_loop3A_286 : vector<16xf32> to vector<1x16xf32>
      tpu.vector_store %arg5[%parallel_loop3A_287, %parallel_loop3A_288], %parallel_loop3A_291 {strides = array<i32>} : memref<128x128xf32, #tpu.memory_space<vmem>>, vector<1x16xf32>,
      %parallel_loop3A_292 = arith.index_cast %parallel_loop3A_271 : i32 to index
      %parallel_loop3A_293 = arith.constant 32 : index
      %parallel_loop3A_294 = tpu.vector_load %arg4[%parallel_loop3A_292, %parallel_loop3A_293] {strides = array<i32>} : memref<512x128xf32, #tpu.memory_space<vmem>>, vector<1x16xf32>,
      %parallel_loop3A_295 = vector.shape_cast %parallel_loop3A_294 : vector<1x16xf32> to vector<16xf32>
      %parallel_loop3A_296 = arith.addf %parallel_loop3A_295, %get3A_48 : vector<16xf32>
      %parallel_loop3A_297 = arith.index_cast %parallel_loop3A_270 : i32 to index
      %parallel_loop3A_298 = arith.constant 32 : index
      %parallel_loop3A_299 = tpu.vector_load %arg5[%parallel_loop3A_297, %parallel_loop3A_298] {strides = array<i32>} : memref<128x128xf32, #tpu.memory_space<vmem>>, vector<1x16xf32>,
      %parallel_loop3A_300 = vector.shape_cast %parallel_loop3A_299 : vector<1x16xf32> to vector<16xf32>
      %parallel_loop3A_301 = vector.shape_cast %parallel_loop3A_296 : vector<16xf32> to vector<1x16xf32>
      tpu.vector_store %arg5[%parallel_loop3A_297, %parallel_loop3A_298], %parallel_loop3A_301 {strides = array<i32>} : memref<128x128xf32, #tpu.memory_space<vmem>>, vector<1x16xf32>,
      %parallel_loop3A_302 = arith.index_cast %parallel_loop3A_271 : i32 to index
      %parallel_loop3A_303 = arith.constant 48 : index
      %parallel_loop3A_304 = tpu.vector_load %arg4[%parallel_loop3A_302, %parallel_loop3A_303] {strides = array<i32>} : memref<512x128xf32, #tpu.memory_space<vmem>>, vector<1x16xf32>,
      %parallel_loop3A_305 = vector.shape_cast %parallel_loop3A_304 : vector<1x16xf32> to vector<16xf32>
      %parallel_loop3A_306 = arith.addf %parallel_loop3A_305, %get3A_52 : vector<16xf32>
      %parallel_loop3A_307 = arith.index_cast %parallel_loop3A_270 : i32 to index
      %parallel_loop3A_308 = arith.constant 48 : index
      %parallel_loop3A_309 = tpu.vector_load %arg5[%parallel_loop3A_307, %parallel_loop3A_308] {strides = array<i32>} : memref<128x128xf32, #tpu.memory_space<vmem>>, vector<1x16xf32>,
      %parallel_loop3A_310 = vector.shape_cast %parallel_loop3A_309 : vector<1x16xf32> to vector<16xf32>
      %parallel_loop3A_311 = vector.shape_cast %parallel_loop3A_306 : vector<16xf32> to vector<1x16xf32>
      tpu.vector_store %arg5[%parallel_loop3A_307, %parallel_loop3A_308], %parallel_loop3A_311 {strides = array<i32>} : memref<128x128xf32, #tpu.memory_space<vmem>>, vector<1x16xf32>,
      %parallel_loop3A_312 = arith.index_cast %parallel_loop3A_271 : i32 to index
      %parallel_loop3A_313 = arith.constant 64 : index
      %parallel_loop3A_314 = tpu.vector_load %arg4[%parallel_loop3A_312, %parallel_loop3A_313] {strides = array<i32>} : memref<512x128xf32, #tpu.memory_space<vmem>>, vector<1x16xf32>,
      %parallel_loop3A_315 = vector.shape_cast %parallel_loop3A_314 : vector<1x16xf32> to vector<16xf32>
      %parallel_loop3A_316 = arith.addf %parallel_loop3A_315, %get3A_56 : vector<16xf32>
      %parallel_loop3A_317 = arith.index_cast %parallel_loop3A_270 : i32 to index
      %parallel_loop3A_318 = arith.constant 64 : index
      %parallel_loop3A_319 = tpu.vector_load %arg5[%parallel_loop3A_317, %parallel_loop3A_318] {strides = array<i32>} : memref<128x128xf32, #tpu.memory_space<vmem>>, vector<1x16xf32>,
      %parallel_loop3A_320 = vector.shape_cast %parallel_loop3A_319 : vector<1x16xf32> to vector<16xf32>
      %parallel_loop3A_321 = vector.shape_cast %parallel_loop3A_316 : vector<16xf32> to vector<1x16xf32>
      tpu.vector_store %arg5[%parallel_loop3A_317, %parallel_loop3A_318], %parallel_loop3A_321 {strides = array<i32>} : memref<128x128xf32, #tpu.memory_space<vmem>>, vector<1x16xf32>,
      %parallel_loop3A_322 = arith.index_cast %parallel_loop3A_271 : i32 to index
      %parallel_loop3A_323 = arith.constant 80 : index
      %parallel_loop3A_324 = tpu.vector_load %arg4[%parallel_loop3A_322, %parallel_loop3A_323] {strides = array<i32>} : memref<512x128xf32, #tpu.memory_space<vmem>>, vector<1x16xf32>,
      %parallel_loop3A_325 = vector.shape_cast %parallel_loop3A_324 : vector<1x16xf32> to vector<16xf32>
      %parallel_loop3A_326 = arith.addf %parallel_loop3A_325, %get3A_60 : vector<16xf32>
      %parallel_loop3A_327 = arith.index_cast %parallel_loop3A_270 : i32 to index
      %parallel_loop3A_328 = arith.constant 80 : index
      %parallel_loop3A_329 = tpu.vector_load %arg5[%parallel_loop3A_327, %parallel_loop3A_328] {strides = array<i32>} : memref<128x128xf32, #tpu.memory_space<vmem>>, vector<1x16xf32>,
      %parallel_loop3A_330 = vector.shape_cast %parallel_loop3A_329 : vector<1x16xf32> to vector<16xf32>
      %parallel_loop3A_331 = vector.shape_cast %parallel_loop3A_326 : vector<16xf32> to vector<1x16xf32>
      tpu.vector_store %arg5[%parallel_loop3A_327, %parallel_loop3A_328], %parallel_loop3A_331 {strides = array<i32>} : memref<128x128xf32, #tpu.memory_space<vmem>>, vector<1x16xf32>,
      %parallel_loop3A_332 = arith.index_cast %parallel_loop3A_271 : i32 to index
      %parallel_loop3A_333 = arith.constant 96 : index
      %parallel_loop3A_334 = tpu.vector_load %arg4[%parallel_loop3A_332, %parallel_loop3A_333] {strides = array<i32>} : memref<512x128xf32, #tpu.memory_space<vmem>>, vector<1x16xf32>,
      %parallel_loop3A_335 = vector.shape_cast %parallel_loop3A_334 : vector<1x16xf32> to vector<16xf32>
      %parallel_loop3A_336 = arith.addf %parallel_loop3A_335, %get3A_64 : vector<16xf32>
      %parallel_loop3A_337 = arith.index_cast %parallel_loop3A_270 : i32 to index
      %parallel_loop3A_338 = arith.constant 96 : index
      %parallel_loop3A_339 = tpu.vector_load %arg5[%parallel_loop3A_337, %parallel_loop3A_338] {strides = array<i32>} : memref<128x128xf32, #tpu.memory_space<vmem>>, vector<1x16xf32>,
      %parallel_loop3A_340 = vector.shape_cast %parallel_loop3A_339 : vector<1x16xf32> to vector<16xf32>
      %parallel_loop3A_341 = vector.shape_cast %parallel_loop3A_336 : vector<16xf32> to vector<1x16xf32>
      tpu.vector_store %arg5[%parallel_loop3A_337, %parallel_loop3A_338], %parallel_loop3A_341 {strides = array<i32>} : memref<128x128xf32, #tpu.memory_space<vmem>>, vector<1x16xf32>,
      %parallel_loop3A_342 = arith.index_cast %parallel_loop3A_271 : i32 to index
      %parallel_loop3A_343 = arith.constant 112 : index
      %parallel_loop3A_344 = tpu.vector_load %arg4[%parallel_loop3A_342, %parallel_loop3A_343] {strides = array<i32>} : memref<512x128xf32, #tpu.memory_space<vmem>>, vector<1x16xf32>,
      %parallel_loop3A_345 = vector.shape_cast %parallel_loop3A_344 : vector<1x16xf32> to vector<16xf32>
      %parallel_loop3A_346 = arith.addf %parallel_loop3A_345, %get3A_68 : vector<16xf32>
      %parallel_loop3A_347 = arith.index_cast %parallel_loop3A_270 : i32 to index
      %parallel_loop3A_348 = arith.constant 112 : index
      %parallel_loop3A_349 = tpu.vector_load %arg5[%parallel_loop3A_347, %parallel_loop3A_348] {strides = array<i32>} : memref<128x128xf32, #tpu.memory_space<vmem>>, vector<1x16xf32>,
      %parallel_loop3A_350 = vector.shape_cast %parallel_loop3A_349 : vector<1x16xf32> to vector<16xf32>
      %parallel_loop3A_351 = vector.shape_cast %parallel_loop3A_346 : vector<16xf32> to vector<1x16xf32>
      tpu.vector_store %arg5[%parallel_loop3A_347, %parallel_loop3A_348], %parallel_loop3A_351 {strides = array<i32>} : memref<128x128xf32, #tpu.memory_space<vmem>>, vector<1x16xf32>,
    } {sc.loop_unroll_factor = 4 : i64, sc.parallel_access}
    %jit3A_71 = arith.constant 0 : i32
    %jit3A_72 = arith.constant 4 : i32
    %div3A_73 = arith.divsi %jit3A_71, %jit3A_72 : i32
    %sign3A_74 = arith.constant 0 : i32
    %sign3A_75 = arith.cmpi sgt, %jit3A_71, %sign3A_74 : i32
    %sign3A_76 = arith.extui %sign3A_75 : i1 to i32
    %sign3A_77 = arith.constant 0 : i32
    %sign3A_78 = arith.cmpi slt, %jit3A_71, %sign3A_77 : i32
    %sign3A_79 = arith.extui %sign3A_78 : i1 to i32
    %sign3A_80 = arith.subi %sign3A_76, %sign3A_79 : i32
    %sign3A_81 = arith.constant 0 : i32
    %sign3A_82 = arith.cmpi sgt, %jit3A_72, %sign3A_81 : i32
    %sign3A_83 = arith.extui %sign3A_82 : i1 to i32
    %sign3A_84 = arith.constant 0 : i32
    %sign3A_85 = arith.cmpi slt, %jit3A_72, %sign3A_84 : i32
    %sign3A_86 = arith.extui %sign3A_85 : i1 to i32
    %sign3A_87 = arith.subi %sign3A_83, %sign3A_86 : i32
    %ne3A_88 = arith.cmpi ne, %sign3A_80, %sign3A_87 : i32
    %rem3A_89 = arith.remsi %jit3A_71, %jit3A_72 : i32
    %ne3A_90 = arith.constant 0 : i32
    %ne3A_91 = arith.cmpi ne, %rem3A_89, %ne3A_90 : i32
    %and3A_92 = arith.andi %ne3A_88, %ne3A_91 : i1
    %sub3A_93 = arith.constant 1 : i32
    %sub3A_94 = arith.subi %div3A_73, %sub3A_93 : i32
    %select_n3A_95 = arith.select %and3A_92, %sub3A_94, %div3A_73 : i32
    %add3A_96 = arith.addi %mul3A_2, %select_n3A_95 : i32
    %jit3A_97 = arith.constant 0 : i32
    %jit3A_98 = arith.constant 4 : i32
    %eq3A_99 = arith.constant 0 : i32
    %eq3A_100 = arith.cmpi eq, %jit3A_98, %eq3A_99 : i32
    %jit3A_101 = arith.constant 1 : i32
    %select_n3A_102 = arith.select %eq3A_100, %jit3A_101, %jit3A_98 : i32
    %rem3A_103 = arith.remsi %jit3A_97, %select_n3A_102 : i32
    %ne3A_104 = arith.constant 0 : i32
    %ne3A_105 = arith.cmpi ne, %rem3A_103, %ne3A_104 : i32
    %lt3A_106 = arith.constant 0 : i32
    %lt3A_107 = arith.cmpi slt, %rem3A_103, %lt3A_106 : i32
    %lt3A_108 = arith.constant 0 : i32
    %lt3A_109 = arith.cmpi slt, %select_n3A_102, %lt3A_108 : i32
    %ne3A_110 = arith.xori %lt3A_107, %lt3A_109 : i1
    %and3A_111 = arith.andi %ne3A_110, %ne3A_105 : i1
    %add3A_112 = arith.addi %rem3A_103, %select_n3A_102 : i32
    %select_n3A_113 = arith.select %and3A_111, %add3A_112, %rem3A_103 : i32
    %mul3A_114 = arith.constant 128 : i32
    %mul3A_115 = arith.muli %select_n3A_113, %mul3A_114 : i32
    %mul3A_116 = arith.constant 512 : i32
    %mul3A_117 = arith.muli %add3A_96, %mul3A_116 : i32
    %add3A_118 = arith.addi %mul3A_117, %mul3A_115 : i32
    %dma_start3A = arith.constant 0 : i32
    %dma_start3A_119 = tpu.memref_slice %arg3[%add3A_118, %dma_start3A] : memref<262144x128xf32, #tpu.memory_space<hbm>> -> memref<128x128xf32, #tpu.memory_space<hbm>>
    %dma_start3A_120 = arith.constant 0 : i32
    %dma_start3A_121 = tpu.memref_slice %arg3[%add3A_118, %dma_start3A_120] : memref<262144x128xf32, #tpu.memory_space<hbm>> -> memref<128x128xf32, #tpu.memory_space<hbm>>
    tpu.enqueue_dma source(%arg5 : memref<128x128xf32, #tpu.memory_space<vmem>>) target(%dma_start3A_121 : memref<128x128xf32, #tpu.memory_space<hbm>>) target_semaphore(%arg7 : memref<!tpu.dma_semaphore, #tpu.memory_space<semaphore_mem>>)
    %jit3A_122 = arith.constant 1 : i32
    %jit3A_123 = arith.constant 4 : i32
    %div3A_124 = arith.divsi %jit3A_122, %jit3A_123 : i32
    %sign3A_125 = arith.constant 0 : i32
    %sign3A_126 = arith.cmpi sgt, %jit3A_122, %sign3A_125 : i32
    %sign3A_127 = arith.extui %sign3A_126 : i1 to i32
    %sign3A_128 = arith.constant 0 : i32
    %sign3A_129 = arith.cmpi slt, %jit3A_122, %sign3A_128 : i32
    %sign3A_130 = arith.extui %sign3A_129 : i1 to i32
    %sign3A_131 = arith.subi %sign3A_127, %sign3A_130 : i32
    %sign3A_132 = arith.constant 0 : i32
    %sign3A_133 = arith.cmpi sgt, %jit3A_123, %sign3A_132 : i32
    %sign3A_134 = arith.extui %sign3A_133 : i1 to i32
    %sign3A_135 = arith.constant 0 : i32
    %sign3A_136 = arith.cmpi slt, %jit3A_123, %sign3A_135 : i32
    %sign3A_137 = arith.extui %sign3A_136 : i1 to i32
    %sign3A_138 = arith.subi %sign3A_134, %sign3A_137 : i32
    %ne3A_139 = arith.cmpi ne, %sign3A_131, %sign3A_138 : i32
    %rem3A_140 = arith.remsi %jit3A_122, %jit3A_123 : i32
    %ne3A_141 = arith.constant 0 : i32
    %ne3A_142 = arith.cmpi ne, %rem3A_140, %ne3A_141 : i32
    %and3A_143 = arith.andi %ne3A_139, %ne3A_142 : i1
    %sub3A_144 = arith.constant 1 : i32
    %sub3A_145 = arith.subi %div3A_124, %sub3A_144 : i32
    %select_n3A_146 = arith.select %and3A_143, %sub3A_145, %div3A_124 : i32
    %add3A_147 = arith.addi %mul3A_2, %select_n3A_146 : i32
    %jit3A_148 = arith.constant 1 : i32
    %jit3A_149 = arith.constant 4 : i32
    %eq3A_150 = arith.constant 0 : i32
    %eq3A_151 = arith.cmpi eq, %jit3A_149, %eq3A_150 : i32
    %jit3A_152 = arith.constant 1 : i32
    %select_n3A_153 = arith.select %eq3A_151, %jit3A_152, %jit3A_149 : i32
    %rem3A_154 = arith.remsi %jit3A_148, %select_n3A_153 : i32
    %ne3A_155 = arith.constant 0 : i32
    %ne3A_156 = arith.cmpi ne, %rem3A_154, %ne3A_155 : i32
    %lt3A_157 = arith.constant 0 : i32
    %lt3A_158 = arith.cmpi slt, %rem3A_154, %lt3A_157 : i32
    %lt3A_159 = arith.constant 0 : i32
    %lt3A_160 = arith.cmpi slt, %select_n3A_153, %lt3A_159 : i32
    %ne3A_161 = arith.xori %lt3A_158, %lt3A_160 : i1
    %and3A_162 = arith.andi %ne3A_161, %ne3A_156 : i1
    %add3A_163 = arith.addi %rem3A_154, %select_n3A_153 : i32
    %select_n3A_164 = arith.select %and3A_162, %add3A_163, %rem3A_154 : i32
    %mul3A_165 = arith.constant 128 : i32
    %mul3A_166 = arith.muli %select_n3A_164, %mul3A_165 : i32
    %get3A_167 = arith.index_cast %add3A_147 : i32 to index
    %get3A_168 = arith.constant 0 : index
    %get3A_169 = tpu.vector_load %arg4[%get3A_167, %get3A_168] {strides = array<i32>} : memref<512x128xf32, #tpu.memory_space<vmem>>, vector<1x16xf32>,
    %get3A_170 = vector.shape_cast %get3A_169 : vector<1x16xf32> to vector<16xf32>
    %get3A_171 = arith.index_cast %add3A_147 : i32 to index
    %get3A_172 = arith.constant 16 : index
    %get3A_173 = tpu.vector_load %arg4[%get3A_171, %get3A_172] {strides = array<i32>} : memref<512x128xf32, #tpu.memory_space<vmem>>, vector<1x16xf32>,
    %get3A_174 = vector.shape_cast %get3A_173 : vector<1x16xf32> to vector<16xf32>
    %get3A_175 = arith.index_cast %add3A_147 : i32 to index
    %get3A_176 = arith.constant 32 : index
    %get3A_177 = tpu.vector_load %arg4[%get3A_175, %get3A_176] {strides = array<i32>} : memref<512x128xf32, #tpu.memory_space<vmem>>, vector<1x16xf32>,
    %get3A_178 = vector.shape_cast %get3A_177 : vector<1x16xf32> to vector<16xf32>
    %get3A_179 = arith.index_cast %add3A_147 : i32 to index
    %get3A_180 = arith.constant 48 : index
    %get3A_181 = tpu.vector_load %arg4[%get3A_179, %get3A_180] {strides = array<i32>} : memref<512x128xf32, #tpu.memory_space<vmem>>, vector<1x16xf32>,
    %get3A_182 = vector.shape_cast %get3A_181 : vector<1x16xf32> to vector<16xf32>
    %get3A_183 = arith.index_cast %add3A_147 : i32 to index
    %get3A_184 = arith.constant 64 : index
    %get3A_185 = tpu.vector_load %arg4[%get3A_183, %get3A_184] {strides = array<i32>} : memref<512x128xf32, #tpu.memory_space<vmem>>, vector<1x16xf32>,
    %get3A_186 = vector.shape_cast %get3A_185 : vector<1x16xf32> to vector<16xf32>
    %get3A_187 = arith.index_cast %add3A_147 : i32 to index
    %get3A_188 = arith.constant 80 : index
    %get3A_189 = tpu.vector_load %arg4[%get3A_187, %get3A_188] {strides = array<i32>} : memref<512x128xf32, #tpu.memory_space<vmem>>, vector<1x16xf32>,
    %get3A_190 = vector.shape_cast %get3A_189 : vector<1x16xf32> to vector<16xf32>
    %get3A_191 = arith.index_cast %add3A_147 : i32 to index
    %get3A_192 = arith.constant 96 : index
    %get3A_193 = tpu.vector_load %arg4[%get3A_191, %get3A_192] {strides = array<i32>} : memref<512x128xf32, #tpu.memory_space<vmem>>, vector<1x16xf32>,
    %get3A_194 = vector.shape_cast %get3A_193 : vector<1x16xf32> to vector<16xf32>
    %get3A_195 = arith.index_cast %add3A_147 : i32 to index
    %get3A_196 = arith.constant 112 : index
    %get3A_197 = tpu.vector_load %arg4[%get3A_195, %get3A_196] {strides = array<i32>} : memref<512x128xf32, #tpu.memory_space<vmem>>, vector<1x16xf32>,
    %get3A_198 = vector.shape_cast %get3A_197 : vector<1x16xf32> to vector<16xf32>
    %parallel_loop3A_199 = arith.constant 0 : i32
    %parallel_loop3A_200 = arith.constant 128 : i32
    %parallel_loop3A_201 = arith.constant 1 : i32
    scf.for %parallel_loop3A_270 = %parallel_loop3A_199 to %parallel_loop3A_200 step %parallel_loop3A_201  : i32 {
      %parallel_loop3A_271 = arith.addi %mul3A_166, %parallel_loop3A_270 : i32
      %parallel_loop3A_272 = arith.index_cast %parallel_loop3A_271 : i32 to index
      %parallel_loop3A_273 = arith.constant 0 : index
      %parallel_loop3A_274 = tpu.vector_load %arg4[%parallel_loop3A_272, %parallel_loop3A_273] {strides = array<i32>} : memref<512x128xf32, #tpu.memory_space<vmem>>, vector<1x16xf32>,
      %parallel_loop3A_275 = vector.shape_cast %parallel_loop3A_274 : vector<1x16xf32> to vector<16xf32>
      %parallel_loop3A_276 = arith.addf %parallel_loop3A_275, %get3A_170 : vector<16xf32>
      %parallel_loop3A_277 = arith.index_cast %parallel_loop3A_270 : i32 to index
      %parallel_loop3A_278 = arith.constant 0 : index
      %parallel_loop3A_279 = tpu.vector_load %arg6[%parallel_loop3A_277, %parallel_loop3A_278] {strides = array<i32>} : memref<128x128xf32, #tpu.memory_space<vmem>>, vector<1x16xf32>,
      %parallel_loop3A_280 = vector.shape_cast %parallel_loop3A_279 : vector<1x16xf32> to vector<16xf32>
      %parallel_loop3A_281 = vector.shape_cast %parallel_loop3A_276 : vector<16xf32> to vector<1x16xf32>
      tpu.vector_store %arg6[%parallel_loop3A_277, %parallel_loop3A_278], %parallel_loop3A_281 {strides = array<i32>} : memref<128x128xf32, #tpu.memory_space<vmem>>, vector<1x16xf32>,
      %parallel_loop3A_282 = arith.index_cast %parallel_loop3A_271 : i32 to index
      %parallel_loop3A_283 = arith.constant 16 : index
      %parallel_loop3A_284 = tpu.vector_load %arg4[%parallel_loop3A_282, %parallel_loop3A_283] {strides = array<i32>} : memref<512x128xf32, #tpu.memory_space<vmem>>, vector<1x16xf32>,
      %parallel_loop3A_285 = vector.shape_cast %parallel_loop3A_284 : vector<1x16xf32> to vector<16xf32>
      %parallel_loop3A_286 = arith.addf %parallel_loop3A_285, %get3A_174 : vector<16xf32>
      %parallel_loop3A_287 = arith.index_cast %parallel_loop3A_270 : i32 to index
      %parallel_loop3A_288 = arith.constant 16 : index
      %parallel_loop3A_289 = tpu.vector_load %arg6[%parallel_loop3A_287, %parallel_loop3A_288] {strides = array<i32>} : memref<128x128xf32, #tpu.memory_space<vmem>>, vector<1x16xf32>,
      %parallel_loop3A_290 = vector.shape_cast %parallel_loop3A_289 : vector<1x16xf32> to vector<16xf32>
      %parallel_loop3A_291 = vector.shape_cast %parallel_loop3A_286 : vector<16xf32> to vector<1x16xf32>
      tpu.vector_store %arg6[%parallel_loop3A_287, %parallel_loop3A_288], %parallel_loop3A_291 {strides = array<i32>} : memref<128x128xf32, #tpu.memory_space<vmem>>, vector<1x16xf32>,
      %parallel_loop3A_292 = arith.index_cast %parallel_loop3A_271 : i32 to index
      %parallel_loop3A_293 = arith.constant 32 : index
      %parallel_loop3A_294 = tpu.vector_load %arg4[%parallel_loop3A_292, %parallel_loop3A_293] {strides = array<i32>} : memref<512x128xf32, #tpu.memory_space<vmem>>, vector<1x16xf32>,
      %parallel_loop3A_295 = vector.shape_cast %parallel_loop3A_294 : vector<1x16xf32> to vector<16xf32>
      %parallel_loop3A_296 = arith.addf %parallel_loop3A_295, %get3A_178 : vector<16xf32>
      %parallel_loop3A_297 = arith.index_cast %parallel_loop3A_270 : i32 to index
      %parallel_loop3A_298 = arith.constant 32 : index
      %parallel_loop3A_299 = tpu.vector_load %arg6[%parallel_loop3A_297, %parallel_loop3A_298] {strides = array<i32>} : memref<128x128xf32, #tpu.memory_space<vmem>>, vector<1x16xf32>,
      %parallel_loop3A_300 = vector.shape_cast %parallel_loop3A_299 : vector<1x16xf32> to vector<16xf32>
      %parallel_loop3A_301 = vector.shape_cast %parallel_loop3A_296 : vector<16xf32> to vector<1x16xf32>
      tpu.vector_store %arg6[%parallel_loop3A_297, %parallel_loop3A_298], %parallel_loop3A_301 {strides = array<i32>} : memref<128x128xf32, #tpu.memory_space<vmem>>, vector<1x16xf32>,
      %parallel_loop3A_302 = arith.index_cast %parallel_loop3A_271 : i32 to index
      %parallel_loop3A_303 = arith.constant 48 : index
      %parallel_loop3A_304 = tpu.vector_load %arg4[%parallel_loop3A_302, %parallel_loop3A_303] {strides = array<i32>} : memref<512x128xf32, #tpu.memory_space<vmem>>, vector<1x16xf32>,
      %parallel_loop3A_305 = vector.shape_cast %parallel_loop3A_304 : vector<1x16xf32> to vector<16xf32>
      %parallel_loop3A_306 = arith.addf %parallel_loop3A_305, %get3A_182 : vector<16xf32>
      %parallel_loop3A_307 = arith.index_cast %parallel_loop3A_270 : i32 to index
      %parallel_loop3A_308 = arith.constant 48 : index
      %parallel_loop3A_309 = tpu.vector_load %arg6[%parallel_loop3A_307, %parallel_loop3A_308] {strides = array<i32>} : memref<128x128xf32, #tpu.memory_space<vmem>>, vector<1x16xf32>,
      %parallel_loop3A_310 = vector.shape_cast %parallel_loop3A_309 : vector<1x16xf32> to vector<16xf32>
      %parallel_loop3A_311 = vector.shape_cast %parallel_loop3A_306 : vector<16xf32> to vector<1x16xf32>
      tpu.vector_store %arg6[%parallel_loop3A_307, %parallel_loop3A_308], %parallel_loop3A_311 {strides = array<i32>} : memref<128x128xf32, #tpu.memory_space<vmem>>, vector<1x16xf32>,
      %parallel_loop3A_312 = arith.index_cast %parallel_loop3A_271 : i32 to index
      %parallel_loop3A_313 = arith.constant 64 : index
      %parallel_loop3A_314 = tpu.vector_load %arg4[%parallel_loop3A_312, %parallel_loop3A_313] {strides = array<i32>} : memref<512x128xf32, #tpu.memory_space<vmem>>, vector<1x16xf32>,
      %parallel_loop3A_315 = vector.shape_cast %parallel_loop3A_314 : vector<1x16xf32> to vector<16xf32>
      %parallel_loop3A_316 = arith.addf %parallel_loop3A_315, %get3A_186 : vector<16xf32>
      %parallel_loop3A_317 = arith.index_cast %parallel_loop3A_270 : i32 to index
      %parallel_loop3A_318 = arith.constant 64 : index
      %parallel_loop3A_319 = tpu.vector_load %arg6[%parallel_loop3A_317, %parallel_loop3A_318] {strides = array<i32>} : memref<128x128xf32, #tpu.memory_space<vmem>>, vector<1x16xf32>,
      %parallel_loop3A_320 = vector.shape_cast %parallel_loop3A_319 : vector<1x16xf32> to vector<16xf32>
      %parallel_loop3A_321 = vector.shape_cast %parallel_loop3A_316 : vector<16xf32> to vector<1x16xf32>
      tpu.vector_store %arg6[%parallel_loop3A_317, %parallel_loop3A_318], %parallel_loop3A_321 {strides = array<i32>} : memref<128x128xf32, #tpu.memory_space<vmem>>, vector<1x16xf32>,
      %parallel_loop3A_322 = arith.index_cast %parallel_loop3A_271 : i32 to index
      %parallel_loop3A_323 = arith.constant 80 : index
      %parallel_loop3A_324 = tpu.vector_load %arg4[%parallel_loop3A_322, %parallel_loop3A_323] {strides = array<i32>} : memref<512x128xf32, #tpu.memory_space<vmem>>, vector<1x16xf32>,
      %parallel_loop3A_325 = vector.shape_cast %parallel_loop3A_324 : vector<1x16xf32> to vector<16xf32>
      %parallel_loop3A_326 = arith.addf %parallel_loop3A_325, %get3A_190 : vector<16xf32>
      %parallel_loop3A_327 = arith.index_cast %parallel_loop3A_270 : i32 to index
      %parallel_loop3A_328 = arith.constant 80 : index
      %parallel_loop3A_329 = tpu.vector_load %arg6[%parallel_loop3A_327, %parallel_loop3A_328] {strides = array<i32>} : memref<128x128xf32, #tpu.memory_space<vmem>>, vector<1x16xf32>,
      %parallel_loop3A_330 = vector.shape_cast %parallel_loop3A_329 : vector<1x16xf32> to vector<16xf32>
      %parallel_loop3A_331 = vector.shape_cast %parallel_loop3A_326 : vector<16xf32> to vector<1x16xf32>
      tpu.vector_store %arg6[%parallel_loop3A_327, %parallel_loop3A_328], %parallel_loop3A_331 {strides = array<i32>} : memref<128x128xf32, #tpu.memory_space<vmem>>, vector<1x16xf32>,
      %parallel_loop3A_332 = arith.index_cast %parallel_loop3A_271 : i32 to index
      %parallel_loop3A_333 = arith.constant 96 : index
      %parallel_loop3A_334 = tpu.vector_load %arg4[%parallel_loop3A_332, %parallel_loop3A_333] {strides = array<i32>} : memref<512x128xf32, #tpu.memory_space<vmem>>, vector<1x16xf32>,
      %parallel_loop3A_335 = vector.shape_cast %parallel_loop3A_334 : vector<1x16xf32> to vector<16xf32>
      %parallel_loop3A_336 = arith.addf %parallel_loop3A_335, %get3A_194 : vector<16xf32>
      %parallel_loop3A_337 = arith.index_cast %parallel_loop3A_270 : i32 to index
      %parallel_loop3A_338 = arith.constant 96 : index
      %parallel_loop3A_339 = tpu.vector_load %arg6[%parallel_loop3A_337, %parallel_loop3A_338] {strides = array<i32>} : memref<128x128xf32, #tpu.memory_space<vmem>>, vector<1x16xf32>,
      %parallel_loop3A_340 = vector.shape_cast %parallel_loop3A_339 : vector<1x16xf32> to vector<16xf32>
      %parallel_loop3A_341 = vector.shape_cast %parallel_loop3A_336 : vector<16xf32> to vector<1x16xf32>
      tpu.vector_store %arg6[%parallel_loop3A_337, %parallel_loop3A_338], %parallel_loop3A_341 {strides = array<i32>} : memref<128x128xf32, #tpu.memory_space<vmem>>, vector<1x16xf32>,
      %parallel_loop3A_342 = arith.index_cast %parallel_loop3A_271 : i32 to index
      %parallel_loop3A_343 = arith.constant 112 : index
      %parallel_loop3A_344 = tpu.vector_load %arg4[%parallel_loop3A_342, %parallel_loop3A_343] {strides = array<i32>} : memref<512x128xf32, #tpu.memory_space<vmem>>, vector<1x16xf32>,
      %parallel_loop3A_345 = vector.shape_cast %parallel_loop3A_344 : vector<1x16xf32> to vector<16xf32>
      %parallel_loop3A_346 = arith.addf %parallel_loop3A_345, %get3A_198 : vector<16xf32>
      %parallel_loop3A_347 = arith.index_cast %parallel_loop3A_270 : i32 to index
      %parallel_loop3A_348 = arith.constant 112 : index
      %parallel_loop3A_349 = tpu.vector_load %arg6[%parallel_loop3A_347, %parallel_loop3A_348] {strides = array<i32>} : memref<128x128xf32, #tpu.memory_space<vmem>>, vector<1x16xf32>,
      %parallel_loop3A_350 = vector.shape_cast %parallel_loop3A_349 : vector<1x16xf32> to vector<16xf32>
      %parallel_loop3A_351 = vector.shape_cast %parallel_loop3A_346 : vector<16xf32> to vector<1x16xf32>
      tpu.vector_store %arg6[%parallel_loop3A_347, %parallel_loop3A_348], %parallel_loop3A_351 {strides = array<i32>} : memref<128x128xf32, #tpu.memory_space<vmem>>, vector<1x16xf32>,
    } {sc.loop_unroll_factor = 4 : i64, sc.parallel_access}
    %jit3A_202 = arith.constant 1 : i32
    %jit3A_203 = arith.constant 4 : i32
    %div3A_204 = arith.divsi %jit3A_202, %jit3A_203 : i32
    %sign3A_205 = arith.constant 0 : i32
    %sign3A_206 = arith.cmpi sgt, %jit3A_202, %sign3A_205 : i32
    %sign3A_207 = arith.extui %sign3A_206 : i1 to i32
    %sign3A_208 = arith.constant 0 : i32
    %sign3A_209 = arith.cmpi slt, %jit3A_202, %sign3A_208 : i32
    %sign3A_210 = arith.extui %sign3A_209 : i1 to i32
    %sign3A_211 = arith.subi %sign3A_207, %sign3A_210 : i32
    %sign3A_212 = arith.constant 0 : i32
    %sign3A_213 = arith.cmpi sgt, %jit3A_203, %sign3A_212 : i32
    %sign3A_214 = arith.extui %sign3A_213 : i1 to i32
    %sign3A_215 = arith.constant 0 : i32
    %sign3A_216 = arith.cmpi slt, %jit3A_203, %sign3A_215 : i32
    %sign3A_217 = arith.extui %sign3A_216 : i1 to i32
    %sign3A_218 = arith.subi %sign3A_214, %sign3A_217 : i32
    %ne3A_219 = arith.cmpi ne, %sign3A_211, %sign3A_218 : i32
    %rem3A_220 = arith.remsi %jit3A_202, %jit3A_203 : i32
    %ne3A_221 = arith.constant 0 : i32
    %ne3A_222 = arith.cmpi ne, %rem3A_220, %ne3A_221 : i32
    %and3A_223 = arith.andi %ne3A_219, %ne3A_222 : i1
    %sub3A_224 = arith.constant 1 : i32
    %sub3A_225 = arith.subi %div3A_204, %sub3A_224 : i32
    %select_n3A_226 = arith.select %and3A_223, %sub3A_225, %div3A_204 : i32
    %add3A_227 = arith.addi %mul3A_2, %select_n3A_226 : i32
    %jit3A_228 = arith.constant 1 : i32
    %jit3A_229 = arith.constant 4 : i32
    %eq3A_230 = arith.constant 0 : i32
    %eq3A_231 = arith.cmpi eq, %jit3A_229, %eq3A_230 : i32
    %jit3A_232 = arith.constant 1 : i32
    %select_n3A_233 = arith.select %eq3A_231, %jit3A_232, %jit3A_229 : i32
    %rem3A_234 = arith.remsi %jit3A_228, %select_n3A_233 : i32
    %ne3A_235 = arith.constant 0 : i32
    %ne3A_236 = arith.cmpi ne, %rem3A_234, %ne3A_235 : i32
    %lt3A_237 = arith.constant 0 : i32
    %lt3A_238 = arith.cmpi slt, %rem3A_234, %lt3A_237 : i32
    %lt3A_239 = arith.constant 0 : i32
    %lt3A_240 = arith.cmpi slt, %select_n3A_233, %lt3A_239 : i32
    %ne3A_241 = arith.xori %lt3A_238, %lt3A_240 : i1
    %and3A_242 = arith.andi %ne3A_241, %ne3A_236 : i1
    %add3A_243 = arith.addi %rem3A_234, %select_n3A_233 : i32
    %select_n3A_244 = arith.select %and3A_242, %add3A_243, %rem3A_234 : i32
    %mul3A_245 = arith.constant 128 : i32
    %mul3A_246 = arith.muli %select_n3A_244, %mul3A_245 : i32
    %mul3A_247 = arith.constant 512 : i32
    %mul3A_248 = arith.muli %add3A_227, %mul3A_247 : i32
    %add3A_249 = arith.addi %mul3A_248, %mul3A_246 : i32
    %dma_start3A_250 = arith.constant 0 : i32
    %dma_start3A_251 = tpu.memref_slice %arg3[%add3A_249, %dma_start3A_250] : memref<262144x128xf32, #tpu.memory_space<hbm>> -> memref<128x128xf32, #tpu.memory_space<hbm>>
    %dma_start3A_252 = arith.constant 0 : i32
    %dma_start3A_253 = tpu.memref_slice %arg3[%add3A_249, %dma_start3A_252] : memref<262144x128xf32, #tpu.memory_space<hbm>> -> memref<128x128xf32, #tpu.memory_space<hbm>>
    tpu.enqueue_dma source(%arg6 : memref<128x128xf32, #tpu.memory_space<vmem>>) target(%dma_start3A_253 : memref<128x128xf32, #tpu.memory_space<hbm>>) target_semaphore(%arg8 : memref<!tpu.dma_semaphore, #tpu.memory_space<semaphore_mem>>)
    %scan3A = arith.constant 0 : i32
    %scan3A_254 = arith.constant 1 : i32
    %scan3A_255 = arith.constant 31 : i32
    %scan3A_256 = arith.addi %scan3A_254, %scan3A_255 : i32
    %scan3A_257 = arith.constant 1 : i32
    scf.for %scan3A_270 = %scan3A_254 to %scan3A_256 step %scan3A_257  : i32 {
      %mul3A_271 = arith.constant 2 : i32
      %mul3A_272 = arith.muli %scan3A_270, %mul3A_271 : i32
      %add3A_273 = arith.constant 0 : i32
      %add3A_274 = arith.addi %mul3A_272, %add3A_273 : i32
      %dma_wait3A_275 = arith.constant 0 : i32
      %dma_wait3A_276 = arith.constant 0 : i32
      %dma_wait3A_277 = tpu.memref_slice %arg3[%dma_wait3A_275, %dma_wait3A_276] : memref<262144x128xf32, #tpu.memory_space<hbm>> -> memref<128x128xf32, #tpu.memory_space<hbm>>
      %dma_wait3A_278 = arith.constant 0 : i32
      %dma_wait3A_279 = arith.constant 0 : i32
      %dma_wait3A_280 = tpu.memref_slice %arg3[%dma_wait3A_278, %dma_wait3A_279] : memref<262144x128xf32, #tpu.memory_space<hbm>> -> memref<128x128xf32, #tpu.memory_space<hbm>>
      tpu.wait_dma2 semaphore(%arg7 : memref<!tpu.dma_semaphore, #tpu.memory_space<semaphore_mem>>) src(%arg5 : memref<128x128xf32, #tpu.memory_space<vmem>>) dst(%dma_wait3A_280 : memref<128x128xf32, #tpu.memory_space<hbm>>)
      %jit3A_281 = arith.constant 4 : i32
      %div3A_282 = arith.divsi %add3A_274, %jit3A_281 : i32
      %sign3A_283 = arith.constant 0 : i32
      %sign3A_284 = arith.cmpi sgt, %add3A_274, %sign3A_283 : i32
      %sign3A_285 = arith.extui %sign3A_284 : i1 to i32
      %sign3A_286 = arith.constant 0 : i32
      %sign3A_287 = arith.cmpi slt, %add3A_274, %sign3A_286 : i32
      %sign3A_288 = arith.extui %sign3A_287 : i1 to i32
      %sign3A_289 = arith.subi %sign3A_285, %sign3A_288 : i32
      %sign3A_290 = arith.constant 0 : i32
      %sign3A_291 = arith.cmpi sgt, %jit3A_281, %sign3A_290 : i32
      %sign3A_292 = arith.extui %sign3A_291 : i1 to i32
      %sign3A_293 = arith.constant 0 : i32
      %sign3A_294 = arith.cmpi slt, %jit3A_281, %sign3A_293 : i32
      %sign3A_295 = arith.extui %sign3A_294 : i1 to i32
      %sign3A_296 = arith.subi %sign3A_292, %sign3A_295 : i32
      %ne3A_297 = arith.cmpi ne, %sign3A_289, %sign3A_296 : i32
      %rem3A_298 = arith.remsi %add3A_274, %jit3A_281 : i32
      %ne3A_299 = arith.constant 0 : i32
      %ne3A_300 = arith.cmpi ne, %rem3A_298, %ne3A_299 : i32
      %and3A_301 = arith.andi %ne3A_297, %ne3A_300 : i1
      %sub3A_302 = arith.constant 1 : i32
      %sub3A_303 = arith.subi %div3A_282, %sub3A_302 : i32
      %select_n3A_304 = arith.select %and3A_301, %sub3A_303, %div3A_282 : i32
      %add3A_305 = arith.addi %mul3A_2, %select_n3A_304 : i32
      %jit3A_306 = arith.constant 4 : i32
      %eq3A_307 = arith.constant 0 : i32
      %eq3A_308 = arith.cmpi eq, %jit3A_306, %eq3A_307 : i32
      %jit3A_309 = arith.constant 1 : i32
      %select_n3A_310 = arith.select %eq3A_308, %jit3A_309, %jit3A_306 : i32
      %rem3A_311 = arith.remsi %add3A_274, %select_n3A_310 : i32
      %ne3A_312 = arith.constant 0 : i32
      %ne3A_313 = arith.cmpi ne, %rem3A_311, %ne3A_312 : i32
      %lt3A_314 = arith.constant 0 : i32
      %lt3A_315 = arith.cmpi slt, %rem3A_311, %lt3A_314 : i32
      %lt3A_316 = arith.constant 0 : i32
      %lt3A_317 = arith.cmpi slt, %select_n3A_310, %lt3A_316 : i32
      %ne3A_318 = arith.xori %lt3A_315, %lt3A_317 : i1
      %and3A_319 = arith.andi %ne3A_318, %ne3A_313 : i1
      %add3A_320 = arith.addi %rem3A_311, %select_n3A_310 : i32
      %select_n3A_321 = arith.select %and3A_319, %add3A_320, %rem3A_311 : i32
      %mul3A_322 = arith.constant 128 : i32
      %mul3A_323 = arith.muli %select_n3A_321, %mul3A_322 : i32
      %get3A_324 = arith.index_cast %add3A_305 : i32 to index
      %get3A_325 = arith.constant 0 : index
      %get3A_326 = tpu.vector_load %arg4[%get3A_324, %get3A_325] {strides = array<i32>} : memref<512x128xf32, #tpu.memory_space<vmem>>, vector<1x16xf32>,
      %get3A_327 = vector.shape_cast %get3A_326 : vector<1x16xf32> to vector<16xf32>
      %get3A_328 = arith.index_cast %add3A_305 : i32 to index
      %get3A_329 = arith.constant 16 : index
      %get3A_330 = tpu.vector_load %arg4[%get3A_328, %get3A_329] {strides = array<i32>} : memref<512x128xf32, #tpu.memory_space<vmem>>, vector<1x16xf32>,
      %get3A_331 = vector.shape_cast %get3A_330 : vector<1x16xf32> to vector<16xf32>
      %get3A_332 = arith.index_cast %add3A_305 : i32 to index
      %get3A_333 = arith.constant 32 : index
      %get3A_334 = tpu.vector_load %arg4[%get3A_332, %get3A_333] {strides = array<i32>} : memref<512x128xf32, #tpu.memory_space<vmem>>, vector<1x16xf32>,
      %get3A_335 = vector.shape_cast %get3A_334 : vector<1x16xf32> to vector<16xf32>
      %get3A_336 = arith.index_cast %add3A_305 : i32 to index
      %get3A_337 = arith.constant 48 : index
      %get3A_338 = tpu.vector_load %arg4[%get3A_336, %get3A_337] {strides = array<i32>} : memref<512x128xf32, #tpu.memory_space<vmem>>, vector<1x16xf32>,
      %get3A_339 = vector.shape_cast %get3A_338 : vector<1x16xf32> to vector<16xf32>
      %get3A_340 = arith.index_cast %add3A_305 : i32 to index
      %get3A_341 = arith.constant 64 : index
      %get3A_342 = tpu.vector_load %arg4[%get3A_340, %get3A_341] {strides = array<i32>} : memref<512x128xf32, #tpu.memory_space<vmem>>, vector<1x16xf32>,
      %get3A_343 = vector.shape_cast %get3A_342 : vector<1x16xf32> to vector<16xf32>
      %get3A_344 = arith.index_cast %add3A_305 : i32 to index
      %get3A_345 = arith.constant 80 : index
      %get3A_346 = tpu.vector_load %arg4[%get3A_344, %get3A_345] {strides = array<i32>} : memref<512x128xf32, #tpu.memory_space<vmem>>, vector<1x16xf32>,
      %get3A_347 = vector.shape_cast %get3A_346 : vector<1x16xf32> to vector<16xf32>
      %get3A_348 = arith.index_cast %add3A_305 : i32 to index
      %get3A_349 = arith.constant 96 : index
      %get3A_350 = tpu.vector_load %arg4[%get3A_348, %get3A_349] {strides = array<i32>} : memref<512x128xf32, #tpu.memory_space<vmem>>, vector<1x16xf32>,
      %get3A_351 = vector.shape_cast %get3A_350 : vector<1x16xf32> to vector<16xf32>
      %get3A_352 = arith.index_cast %add3A_305 : i32 to index
      %get3A_353 = arith.constant 112 : index
      %get3A_354 = tpu.vector_load %arg4[%get3A_352, %get3A_353] {strides = array<i32>} : memref<512x128xf32, #tpu.memory_space<vmem>>, vector<1x16xf32>,
      %get3A_355 = vector.shape_cast %get3A_354 : vector<1x16xf32> to vector<16xf32>
      %parallel_loop3A_356 = arith.constant 0 : i32
      %parallel_loop3A_357 = arith.constant 128 : i32
      %parallel_loop3A_358 = arith.constant 1 : i32
      scf.for %parallel_loop3A_547 = %parallel_loop3A_356 to %parallel_loop3A_357 step %parallel_loop3A_358  : i32 {
        %parallel_loop3A_548 = arith.addi %mul3A_323, %parallel_loop3A_547 : i32
        %parallel_loop3A_549 = arith.index_cast %parallel_loop3A_548 : i32 to index
        %parallel_loop3A_550 = arith.constant 0 : index
        %parallel_loop3A_551 = tpu.vector_load %arg4[%parallel_loop3A_549, %parallel_loop3A_550] {strides = array<i32>} : memref<512x128xf32, #tpu.memory_space<vmem>>, vector<1x16xf32>,
        %parallel_loop3A_552 = vector.shape_cast %parallel_loop3A_551 : vector<1x16xf32> to vector<16xf32>
        %parallel_loop3A_553 = arith.addf %parallel_loop3A_552, %get3A_327 : vector<16xf32>
        %parallel_loop3A_554 = arith.index_cast %parallel_loop3A_547 : i32 to index
        %parallel_loop3A_555 = arith.constant 0 : index
        %parallel_loop3A_556 = tpu.vector_load %arg5[%parallel_loop3A_554, %parallel_loop3A_555] {strides = array<i32>} : memref<128x128xf32, #tpu.memory_space<vmem>>, vector<1x16xf32>,
        %parallel_loop3A_557 = vector.shape_cast %parallel_loop3A_556 : vector<1x16xf32> to vector<16xf32>
        %parallel_loop3A_558 = vector.shape_cast %parallel_loop3A_553 : vector<16xf32> to vector<1x16xf32>
        tpu.vector_store %arg5[%parallel_loop3A_554, %parallel_loop3A_555], %parallel_loop3A_558 {strides = array<i32>} : memref<128x128xf32, #tpu.memory_space<vmem>>, vector<1x16xf32>,
        %parallel_loop3A_559 = arith.index_cast %parallel_loop3A_548 : i32 to index
        %parallel_loop3A_560 = arith.constant 16 : index
        %parallel_loop3A_561 = tpu.vector_load %arg4[%parallel_loop3A_559, %parallel_loop3A_560] {strides = array<i32>} : memref<512x128xf32, #tpu.memory_space<vmem>>, vector<1x16xf32>,
        %parallel_loop3A_562 = vector.shape_cast %parallel_loop3A_561 : vector<1x16xf32> to vector<16xf32>
        %parallel_loop3A_563 = arith.addf %parallel_loop3A_562, %get3A_331 : vector<16xf32>
        %parallel_loop3A_564 = arith.index_cast %parallel_loop3A_547 : i32 to index
        %parallel_loop3A_565 = arith.constant 16 : index
        %parallel_loop3A_566 = tpu.vector_load %arg5[%parallel_loop3A_564, %parallel_loop3A_565] {strides = array<i32>} : memref<128x128xf32, #tpu.memory_space<vmem>>, vector<1x16xf32>,
        %parallel_loop3A_567 = vector.shape_cast %parallel_loop3A_566 : vector<1x16xf32> to vector<16xf32>
        %parallel_loop3A_568 = vector.shape_cast %parallel_loop3A_563 : vector<16xf32> to vector<1x16xf32>
        tpu.vector_store %arg5[%parallel_loop3A_564, %parallel_loop3A_565], %parallel_loop3A_568 {strides = array<i32>} : memref<128x128xf32, #tpu.memory_space<vmem>>, vector<1x16xf32>,
        %parallel_loop3A_569 = arith.index_cast %parallel_loop3A_548 : i32 to index
        %parallel_loop3A_570 = arith.constant 32 : index
        %parallel_loop3A_571 = tpu.vector_load %arg4[%parallel_loop3A_569, %parallel_loop3A_570] {strides = array<i32>} : memref<512x128xf32, #tpu.memory_space<vmem>>, vector<1x16xf32>,
        %parallel_loop3A_572 = vector.shape_cast %parallel_loop3A_571 : vector<1x16xf32> to vector<16xf32>
        %parallel_loop3A_573 = arith.addf %parallel_loop3A_572, %get3A_335 : vector<16xf32>
        %parallel_loop3A_574 = arith.index_cast %parallel_loop3A_547 : i32 to index
        %parallel_loop3A_575 = arith.constant 32 : index
        %parallel_loop3A_576 = tpu.vector_load %arg5[%parallel_loop3A_574, %parallel_loop3A_575] {strides = array<i32>} : memref<128x128xf32, #tpu.memory_space<vmem>>, vector<1x16xf32>,
        %parallel_loop3A_577 = vector.shape_cast %parallel_loop3A_576 : vector<1x16xf32> to vector<16xf32>
        %parallel_loop3A_578 = vector.shape_cast %parallel_loop3A_573 : vector<16xf32> to vector<1x16xf32>
        tpu.vector_store %arg5[%parallel_loop3A_574, %parallel_loop3A_575], %parallel_loop3A_578 {strides = array<i32>} : memref<128x128xf32, #tpu.memory_space<vmem>>, vector<1x16xf32>,
        %parallel_loop3A_579 = arith.index_cast %parallel_loop3A_548 : i32 to index
        %parallel_loop3A_580 = arith.constant 48 : index
        %parallel_loop3A_581 = tpu.vector_load %arg4[%parallel_loop3A_579, %parallel_loop3A_580] {strides = array<i32>} : memref<512x128xf32, #tpu.memory_space<vmem>>, vector<1x16xf32>,
        %parallel_loop3A_582 = vector.shape_cast %parallel_loop3A_581 : vector<1x16xf32> to vector<16xf32>
        %parallel_loop3A_583 = arith.addf %parallel_loop3A_582, %get3A_339 : vector<16xf32>
        %parallel_loop3A_584 = arith.index_cast %parallel_loop3A_547 : i32 to index
        %parallel_loop3A_585 = arith.constant 48 : index
        %parallel_loop3A_586 = tpu.vector_load %arg5[%parallel_loop3A_584, %parallel_loop3A_585] {strides = array<i32>} : memref<128x128xf32, #tpu.memory_space<vmem>>, vector<1x16xf32>,
        %parallel_loop3A_587 = vector.shape_cast %parallel_loop3A_586 : vector<1x16xf32> to vector<16xf32>
        %parallel_loop3A_588 = vector.shape_cast %parallel_loop3A_583 : vector<16xf32> to vector<1x16xf32>
        tpu.vector_store %arg5[%parallel_loop3A_584, %parallel_loop3A_585], %parallel_loop3A_588 {strides = array<i32>} : memref<128x128xf32, #tpu.memory_space<vmem>>, vector<1x16xf32>,
        %parallel_loop3A_589 = arith.index_cast %parallel_loop3A_548 : i32 to index
        %parallel_loop3A_590 = arith.constant 64 : index
        %parallel_loop3A_591 = tpu.vector_load %arg4[%parallel_loop3A_589, %parallel_loop3A_590] {strides = array<i32>} : memref<512x128xf32, #tpu.memory_space<vmem>>, vector<1x16xf32>,
        %parallel_loop3A_592 = vector.shape_cast %parallel_loop3A_591 : vector<1x16xf32> to vector<16xf32>
        %parallel_loop3A_593 = arith.addf %parallel_loop3A_592, %get3A_343 : vector<16xf32>
        %parallel_loop3A_594 = arith.index_cast %parallel_loop3A_547 : i32 to index
        %parallel_loop3A_595 = arith.constant 64 : index
        %parallel_loop3A_596 = tpu.vector_load %arg5[%parallel_loop3A_594, %parallel_loop3A_595] {strides = array<i32>} : memref<128x128xf32, #tpu.memory_space<vmem>>, vector<1x16xf32>,
        %parallel_loop3A_597 = vector.shape_cast %parallel_loop3A_596 : vector<1x16xf32> to vector<16xf32>
        %parallel_loop3A_598 = vector.shape_cast %parallel_loop3A_593 : vector<16xf32> to vector<1x16xf32>
        tpu.vector_store %arg5[%parallel_loop3A_594, %parallel_loop3A_595], %parallel_loop3A_598 {strides = array<i32>} : memref<128x128xf32, #tpu.memory_space<vmem>>, vector<1x16xf32>,
        %parallel_loop3A_599 = arith.index_cast %parallel_loop3A_548 : i32 to index
        %parallel_loop3A_600 = arith.constant 80 : index
        %parallel_loop3A_601 = tpu.vector_load %arg4[%parallel_loop3A_599, %parallel_loop3A_600] {strides = array<i32>} : memref<512x128xf32, #tpu.memory_space<vmem>>, vector<1x16xf32>,
        %parallel_loop3A_602 = vector.shape_cast %parallel_loop3A_601 : vector<1x16xf32> to vector<16xf32>
        %parallel_loop3A_603 = arith.addf %parallel_loop3A_602, %get3A_347 : vector<16xf32>
        %parallel_loop3A_604 = arith.index_cast %parallel_loop3A_547 : i32 to index
        %parallel_loop3A_605 = arith.constant 80 : index
        %parallel_loop3A_606 = tpu.vector_load %arg5[%parallel_loop3A_604, %parallel_loop3A_605] {strides = array<i32>} : memref<128x128xf32, #tpu.memory_space<vmem>>, vector<1x16xf32>,
        %parallel_loop3A_607 = vector.shape_cast %parallel_loop3A_606 : vector<1x16xf32> to vector<16xf32>
        %parallel_loop3A_608 = vector.shape_cast %parallel_loop3A_603 : vector<16xf32> to vector<1x16xf32>
        tpu.vector_store %arg5[%parallel_loop3A_604, %parallel_loop3A_605], %parallel_loop3A_608 {strides = array<i32>} : memref<128x128xf32, #tpu.memory_space<vmem>>, vector<1x16xf32>,
        %parallel_loop3A_609 = arith.index_cast %parallel_loop3A_548 : i32 to index
        %parallel_loop3A_610 = arith.constant 96 : index
        %parallel_loop3A_611 = tpu.vector_load %arg4[%parallel_loop3A_609, %parallel_loop3A_610] {strides = array<i32>} : memref<512x128xf32, #tpu.memory_space<vmem>>, vector<1x16xf32>,
        %parallel_loop3A_612 = vector.shape_cast %parallel_loop3A_611 : vector<1x16xf32> to vector<16xf32>
        %parallel_loop3A_613 = arith.addf %parallel_loop3A_612, %get3A_351 : vector<16xf32>
        %parallel_loop3A_614 = arith.index_cast %parallel_loop3A_547 : i32 to index
        %parallel_loop3A_615 = arith.constant 96 : index
        %parallel_loop3A_616 = tpu.vector_load %arg5[%parallel_loop3A_614, %parallel_loop3A_615] {strides = array<i32>} : memref<128x128xf32, #tpu.memory_space<vmem>>, vector<1x16xf32>,
        %parallel_loop3A_617 = vector.shape_cast %parallel_loop3A_616 : vector<1x16xf32> to vector<16xf32>
        %parallel_loop3A_618 = vector.shape_cast %parallel_loop3A_613 : vector<16xf32> to vector<1x16xf32>
        tpu.vector_store %arg5[%parallel_loop3A_614, %parallel_loop3A_615], %parallel_loop3A_618 {strides = array<i32>} : memref<128x128xf32, #tpu.memory_space<vmem>>, vector<1x16xf32>,
        %parallel_loop3A_619 = arith.index_cast %parallel_loop3A_548 : i32 to index
        %parallel_loop3A_620 = arith.constant 112 : index
        %parallel_loop3A_621 = tpu.vector_load %arg4[%parallel_loop3A_619, %parallel_loop3A_620] {strides = array<i32>} : memref<512x128xf32, #tpu.memory_space<vmem>>, vector<1x16xf32>,
        %parallel_loop3A_622 = vector.shape_cast %parallel_loop3A_621 : vector<1x16xf32> to vector<16xf32>
        %parallel_loop3A_623 = arith.addf %parallel_loop3A_622, %get3A_355 : vector<16xf32>
        %parallel_loop3A_624 = arith.index_cast %parallel_loop3A_547 : i32 to index
        %parallel_loop3A_625 = arith.constant 112 : index
        %parallel_loop3A_626 = tpu.vector_load %arg5[%parallel_loop3A_624, %parallel_loop3A_625] {strides = array<i32>} : memref<128x128xf32, #tpu.memory_space<vmem>>, vector<1x16xf32>,
        %parallel_loop3A_627 = vector.shape_cast %parallel_loop3A_626 : vector<1x16xf32> to vector<16xf32>
        %parallel_loop3A_628 = vector.shape_cast %parallel_loop3A_623 : vector<16xf32> to vector<1x16xf32>
        tpu.vector_store %arg5[%parallel_loop3A_624, %parallel_loop3A_625], %parallel_loop3A_628 {strides = array<i32>} : memref<128x128xf32, #tpu.memory_space<vmem>>, vector<1x16xf32>,
      } {sc.loop_unroll_factor = 4 : i64, sc.parallel_access}
      %jit3A_359 = arith.constant 4 : i32
      %div3A_360 = arith.divsi %add3A_274, %jit3A_359 : i32
      %sign3A_361 = arith.constant 0 : i32
      %sign3A_362 = arith.cmpi sgt, %add3A_274, %sign3A_361 : i32
      %sign3A_363 = arith.extui %sign3A_362 : i1 to i32
      %sign3A_364 = arith.constant 0 : i32
      %sign3A_365 = arith.cmpi slt, %add3A_274, %sign3A_364 : i32
      %sign3A_366 = arith.extui %sign3A_365 : i1 to i32
      %sign3A_367 = arith.subi %sign3A_363, %sign3A_366 : i32
      %sign3A_368 = arith.constant 0 : i32
      %sign3A_369 = arith.cmpi sgt, %jit3A_359, %sign3A_368 : i32
      %sign3A_370 = arith.extui %sign3A_369 : i1 to i32
      %sign3A_371 = arith.constant 0 : i32
      %sign3A_372 = arith.cmpi slt, %jit3A_359, %sign3A_371 : i32
      %sign3A_373 = arith.extui %sign3A_372 : i1 to i32
      %sign3A_374 = arith.subi %sign3A_370, %sign3A_373 : i32
      %ne3A_375 = arith.cmpi ne, %sign3A_367, %sign3A_374 : i32
      %rem3A_376 = arith.remsi %add3A_274, %jit3A_359 : i32
      %ne3A_377 = arith.constant 0 : i32
      %ne3A_378 = arith.cmpi ne, %rem3A_376, %ne3A_377 : i32
      %and3A_379 = arith.andi %ne3A_375, %ne3A_378 : i1
      %sub3A_380 = arith.constant 1 : i32
      %sub3A_381 = arith.subi %div3A_360, %sub3A_380 : i32
      %select_n3A_382 = arith.select %and3A_379, %sub3A_381, %div3A_360 : i32
      %add3A_383 = arith.addi %mul3A_2, %select_n3A_382 : i32
      %jit3A_384 = arith.constant 4 : i32
      %eq3A_385 = arith.constant 0 : i32
      %eq3A_386 = arith.cmpi eq, %jit3A_384, %eq3A_385 : i32
      %jit3A_387 = arith.constant 1 : i32
      %select_n3A_388 = arith.select %eq3A_386, %jit3A_387, %jit3A_384 : i32
      %rem3A_389 = arith.remsi %add3A_274, %select_n3A_388 : i32
      %ne3A_390 = arith.constant 0 : i32
      %ne3A_391 = arith.cmpi ne, %rem3A_389, %ne3A_390 : i32
      %lt3A_392 = arith.constant 0 : i32
      %lt3A_393 = arith.cmpi slt, %rem3A_389, %lt3A_392 : i32
      %lt3A_394 = arith.constant 0 : i32
      %lt3A_395 = arith.cmpi slt, %select_n3A_388, %lt3A_394 : i32
      %ne3A_396 = arith.xori %lt3A_393, %lt3A_395 : i1
      %and3A_397 = arith.andi %ne3A_396, %ne3A_391 : i1
      %add3A_398 = arith.addi %rem3A_389, %select_n3A_388 : i32
      %select_n3A_399 = arith.select %and3A_397, %add3A_398, %rem3A_389 : i32
      %mul3A_400 = arith.constant 128 : i32
      %mul3A_401 = arith.muli %select_n3A_399, %mul3A_400 : i32
      %mul3A_402 = arith.constant 512 : i32
      %mul3A_403 = arith.muli %add3A_383, %mul3A_402 : i32
      %add3A_404 = arith.addi %mul3A_403, %mul3A_401 : i32
      %dma_start3A_405 = arith.constant 0 : i32
      %dma_start3A_406 = tpu.memref_slice %arg3[%add3A_404, %dma_start3A_405] : memref<262144x128xf32, #tpu.memory_space<hbm>> -> memref<128x128xf32, #tpu.memory_space<hbm>>
      %dma_start3A_407 = arith.constant 0 : i32
      %dma_start3A_408 = tpu.memref_slice %arg3[%add3A_404, %dma_start3A_407] : memref<262144x128xf32, #tpu.memory_space<hbm>> -> memref<128x128xf32, #tpu.memory_space<hbm>>
      tpu.enqueue_dma source(%arg5 : memref<128x128xf32, #tpu.memory_space<vmem>>) target(%dma_start3A_408 : memref<128x128xf32, #tpu.memory_space<hbm>>) target_semaphore(%arg7 : memref<!tpu.dma_semaphore, #tpu.memory_space<semaphore_mem>>)
      %mul3A_409 = arith.constant 2 : i32
      %mul3A_410 = arith.muli %scan3A_270, %mul3A_409 : i32
      %add3A_411 = arith.constant 1 : i32
      %add3A_412 = arith.addi %mul3A_410, %add3A_411 : i32
      %dma_wait3A_413 = arith.constant 0 : i32
      %dma_wait3A_414 = arith.constant 0 : i32
      %dma_wait3A_415 = tpu.memref_slice %arg3[%dma_wait3A_413, %dma_wait3A_414] : memref<262144x128xf32, #tpu.memory_space<hbm>> -> memref<128x128xf32, #tpu.memory_space<hbm>>
      %dma_wait3A_416 = arith.constant 0 : i32
      %dma_wait3A_417 = arith.constant 0 : i32
      %dma_wait3A_418 = tpu.memref_slice %arg3[%dma_wait3A_416, %dma_wait3A_417] : memref<262144x128xf32, #tpu.memory_space<hbm>> -> memref<128x128xf32, #tpu.memory_space<hbm>>
      tpu.wait_dma2 semaphore(%arg8 : memref<!tpu.dma_semaphore, #tpu.memory_space<semaphore_mem>>) src(%arg6 : memref<128x128xf32, #tpu.memory_space<vmem>>) dst(%dma_wait3A_418 : memref<128x128xf32, #tpu.memory_space<hbm>>)
      %jit3A_419 = arith.constant 4 : i32
      %div3A_420 = arith.divsi %add3A_412, %jit3A_419 : i32
      %sign3A_421 = arith.constant 0 : i32
      %sign3A_422 = arith.cmpi sgt, %add3A_412, %sign3A_421 : i32
      %sign3A_423 = arith.extui %sign3A_422 : i1 to i32
      %sign3A_424 = arith.constant 0 : i32
      %sign3A_425 = arith.cmpi slt, %add3A_412, %sign3A_424 : i32
      %sign3A_426 = arith.extui %sign3A_425 : i1 to i32
      %sign3A_427 = arith.subi %sign3A_423, %sign3A_426 : i32
      %sign3A_428 = arith.constant 0 : i32
      %sign3A_429 = arith.cmpi sgt, %jit3A_419, %sign3A_428 : i32
      %sign3A_430 = arith.extui %sign3A_429 : i1 to i32
      %sign3A_431 = arith.constant 0 : i32
      %sign3A_432 = arith.cmpi slt, %jit3A_419, %sign3A_431 : i32
      %sign3A_433 = arith.extui %sign3A_432 : i1 to i32
      %sign3A_434 = arith.subi %sign3A_430, %sign3A_433 : i32
      %ne3A_435 = arith.cmpi ne, %sign3A_427, %sign3A_434 : i32
      %rem3A_436 = arith.remsi %add3A_412, %jit3A_419 : i32
      %ne3A_437 = arith.constant 0 : i32
      %ne3A_438 = arith.cmpi ne, %rem3A_436, %ne3A_437 : i32
      %and3A_439 = arith.andi %ne3A_435, %ne3A_438 : i1
      %sub3A_440 = arith.constant 1 : i32
      %sub3A_441 = arith.subi %div3A_420, %sub3A_440 : i32
      %select_n3A_442 = arith.select %and3A_439, %sub3A_441, %div3A_420 : i32
      %add3A_443 = arith.addi %mul3A_2, %select_n3A_442 : i32
      %jit3A_444 = arith.constant 4 : i32
      %eq3A_445 = arith.constant 0 : i32
      %eq3A_446 = arith.cmpi eq, %jit3A_444, %eq3A_445 : i32
      %jit3A_447 = arith.constant 1 : i32
      %select_n3A_448 = arith.select %eq3A_446, %jit3A_447, %jit3A_444 : i32
      %rem3A_449 = arith.remsi %add3A_412, %select_n3A_448 : i32
      %ne3A_450 = arith.constant 0 : i32
      %ne3A_451 = arith.cmpi ne, %rem3A_449, %ne3A_450 : i32
      %lt3A_452 = arith.constant 0 : i32
      %lt3A_453 = arith.cmpi slt, %rem3A_449, %lt3A_452 : i32
      %lt3A_454 = arith.constant 0 : i32
      %lt3A_455 = arith.cmpi slt, %select_n3A_448, %lt3A_454 : i32
      %ne3A_456 = arith.xori %lt3A_453, %lt3A_455 : i1
      %and3A_457 = arith.andi %ne3A_456, %ne3A_451 : i1
      %add3A_458 = arith.addi %rem3A_449, %select_n3A_448 : i32
      %select_n3A_459 = arith.select %and3A_457, %add3A_458, %rem3A_449 : i32
      %mul3A_460 = arith.constant 128 : i32
      %mul3A_461 = arith.muli %select_n3A_459, %mul3A_460 : i32
      %get3A_462 = arith.index_cast %add3A_443 : i32 to index
      %get3A_463 = arith.constant 0 : index
      %get3A_464 = tpu.vector_load %arg4[%get3A_462, %get3A_463] {strides = array<i32>} : memref<512x128xf32, #tpu.memory_space<vmem>>, vector<1x16xf32>,
      %get3A_465 = vector.shape_cast %get3A_464 : vector<1x16xf32> to vector<16xf32>
      %get3A_466 = arith.index_cast %add3A_443 : i32 to index
      %get3A_467 = arith.constant 16 : index
      %get3A_468 = tpu.vector_load %arg4[%get3A_466, %get3A_467] {strides = array<i32>} : memref<512x128xf32, #tpu.memory_space<vmem>>, vector<1x16xf32>,
      %get3A_469 = vector.shape_cast %get3A_468 : vector<1x16xf32> to vector<16xf32>
      %get3A_470 = arith.index_cast %add3A_443 : i32 to index
      %get3A_471 = arith.constant 32 : index
      %get3A_472 = tpu.vector_load %arg4[%get3A_470, %get3A_471] {strides = array<i32>} : memref<512x128xf32, #tpu.memory_space<vmem>>, vector<1x16xf32>,
      %get3A_473 = vector.shape_cast %get3A_472 : vector<1x16xf32> to vector<16xf32>
      %get3A_474 = arith.index_cast %add3A_443 : i32 to index
      %get3A_475 = arith.constant 48 : index
      %get3A_476 = tpu.vector_load %arg4[%get3A_474, %get3A_475] {strides = array<i32>} : memref<512x128xf32, #tpu.memory_space<vmem>>, vector<1x16xf32>,
      %get3A_477 = vector.shape_cast %get3A_476 : vector<1x16xf32> to vector<16xf32>
      %get3A_478 = arith.index_cast %add3A_443 : i32 to index
      %get3A_479 = arith.constant 64 : index
      %get3A_480 = tpu.vector_load %arg4[%get3A_478, %get3A_479] {strides = array<i32>} : memref<512x128xf32, #tpu.memory_space<vmem>>, vector<1x16xf32>,
      %get3A_481 = vector.shape_cast %get3A_480 : vector<1x16xf32> to vector<16xf32>
      %get3A_482 = arith.index_cast %add3A_443 : i32 to index
      %get3A_483 = arith.constant 80 : index
      %get3A_484 = tpu.vector_load %arg4[%get3A_482, %get3A_483] {strides = array<i32>} : memref<512x128xf32, #tpu.memory_space<vmem>>, vector<1x16xf32>,
      %get3A_485 = vector.shape_cast %get3A_484 : vector<1x16xf32> to vector<16xf32>
      %get3A_486 = arith.index_cast %add3A_443 : i32 to index
      %get3A_487 = arith.constant 96 : index
      %get3A_488 = tpu.vector_load %arg4[%get3A_486, %get3A_487] {strides = array<i32>} : memref<512x128xf32, #tpu.memory_space<vmem>>, vector<1x16xf32>,
      %get3A_489 = vector.shape_cast %get3A_488 : vector<1x16xf32> to vector<16xf32>
      %get3A_490 = arith.index_cast %add3A_443 : i32 to index
      %get3A_491 = arith.constant 112 : index
      %get3A_492 = tpu.vector_load %arg4[%get3A_490, %get3A_491] {strides = array<i32>} : memref<512x128xf32, #tpu.memory_space<vmem>>, vector<1x16xf32>,
      %get3A_493 = vector.shape_cast %get3A_492 : vector<1x16xf32> to vector<16xf32>
      %parallel_loop3A_494 = arith.constant 0 : i32
      %parallel_loop3A_495 = arith.constant 128 : i32
      %parallel_loop3A_496 = arith.constant 1 : i32
      scf.for %parallel_loop3A_547 = %parallel_loop3A_494 to %parallel_loop3A_495 step %parallel_loop3A_496  : i32 {
        %parallel_loop3A_548 = arith.addi %mul3A_461, %parallel_loop3A_547 : i32
        %parallel_loop3A_549 = arith.index_cast %parallel_loop3A_548 : i32 to index
        %parallel_loop3A_550 = arith.constant 0 : index
        %parallel_loop3A_551 = tpu.vector_load %arg4[%parallel_loop3A_549, %parallel_loop3A_550] {strides = array<i32>} : memref<512x128xf32, #tpu.memory_space<vmem>>, vector<1x16xf32>,
        %parallel_loop3A_552 = vector.shape_cast %parallel_loop3A_551 : vector<1x16xf32> to vector<16xf32>
        %parallel_loop3A_553 = arith.addf %parallel_loop3A_552, %get3A_465 : vector<16xf32>
        %parallel_loop3A_554 = arith.index_cast %parallel_loop3A_547 : i32 to index
        %parallel_loop3A_555 = arith.constant 0 : index
        %parallel_loop3A_556 = tpu.vector_load %arg6[%parallel_loop3A_554, %parallel_loop3A_555] {strides = array<i32>} : memref<128x128xf32, #tpu.memory_space<vmem>>, vector<1x16xf32>,
        %parallel_loop3A_557 = vector.shape_cast %parallel_loop3A_556 : vector<1x16xf32> to vector<16xf32>
        %parallel_loop3A_558 = vector.shape_cast %parallel_loop3A_553 : vector<16xf32> to vector<1x16xf32>
        tpu.vector_store %arg6[%parallel_loop3A_554, %parallel_loop3A_555], %parallel_loop3A_558 {strides = array<i32>} : memref<128x128xf32, #tpu.memory_space<vmem>>, vector<1x16xf32>,
        %parallel_loop3A_559 = arith.index_cast %parallel_loop3A_548 : i32 to index
        %parallel_loop3A_560 = arith.constant 16 : index
        %parallel_loop3A_561 = tpu.vector_load %arg4[%parallel_loop3A_559, %parallel_loop3A_560] {strides = array<i32>} : memref<512x128xf32, #tpu.memory_space<vmem>>, vector<1x16xf32>,
        %parallel_loop3A_562 = vector.shape_cast %parallel_loop3A_561 : vector<1x16xf32> to vector<16xf32>
        %parallel_loop3A_563 = arith.addf %parallel_loop3A_562, %get3A_469 : vector<16xf32>
        %parallel_loop3A_564 = arith.index_cast %parallel_loop3A_547 : i32 to index
        %parallel_loop3A_565 = arith.constant 16 : index
        %parallel_loop3A_566 = tpu.vector_load %arg6[%parallel_loop3A_564, %parallel_loop3A_565] {strides = array<i32>} : memref<128x128xf32, #tpu.memory_space<vmem>>, vector<1x16xf32>,
        %parallel_loop3A_567 = vector.shape_cast %parallel_loop3A_566 : vector<1x16xf32> to vector<16xf32>
        %parallel_loop3A_568 = vector.shape_cast %parallel_loop3A_563 : vector<16xf32> to vector<1x16xf32>
        tpu.vector_store %arg6[%parallel_loop3A_564, %parallel_loop3A_565], %parallel_loop3A_568 {strides = array<i32>} : memref<128x128xf32, #tpu.memory_space<vmem>>, vector<1x16xf32>,
        %parallel_loop3A_569 = arith.index_cast %parallel_loop3A_548 : i32 to index
        %parallel_loop3A_570 = arith.constant 32 : index
        %parallel_loop3A_571 = tpu.vector_load %arg4[%parallel_loop3A_569, %parallel_loop3A_570] {strides = array<i32>} : memref<512x128xf32, #tpu.memory_space<vmem>>, vector<1x16xf32>,
        %parallel_loop3A_572 = vector.shape_cast %parallel_loop3A_571 : vector<1x16xf32> to vector<16xf32>
        %parallel_loop3A_573 = arith.addf %parallel_loop3A_572, %get3A_473 : vector<16xf32>
        %parallel_loop3A_574 = arith.index_cast %parallel_loop3A_547 : i32 to index
        %parallel_loop3A_575 = arith.constant 32 : index
        %parallel_loop3A_576 = tpu.vector_load %arg6[%parallel_loop3A_574, %parallel_loop3A_575] {strides = array<i32>} : memref<128x128xf32, #tpu.memory_space<vmem>>, vector<1x16xf32>,
        %parallel_loop3A_577 = vector.shape_cast %parallel_loop3A_576 : vector<1x16xf32> to vector<16xf32>
        %parallel_loop3A_578 = vector.shape_cast %parallel_loop3A_573 : vector<16xf32> to vector<1x16xf32>
        tpu.vector_store %arg6[%parallel_loop3A_574, %parallel_loop3A_575], %parallel_loop3A_578 {strides = array<i32>} : memref<128x128xf32, #tpu.memory_space<vmem>>, vector<1x16xf32>,
        %parallel_loop3A_579 = arith.index_cast %parallel_loop3A_548 : i32 to index
        %parallel_loop3A_580 = arith.constant 48 : index
        %parallel_loop3A_581 = tpu.vector_load %arg4[%parallel_loop3A_579, %parallel_loop3A_580] {strides = array<i32>} : memref<512x128xf32, #tpu.memory_space<vmem>>, vector<1x16xf32>,
        %parallel_loop3A_582 = vector.shape_cast %parallel_loop3A_581 : vector<1x16xf32> to vector<16xf32>
        %parallel_loop3A_583 = arith.addf %parallel_loop3A_582, %get3A_477 : vector<16xf32>
        %parallel_loop3A_584 = arith.index_cast %parallel_loop3A_547 : i32 to index
        %parallel_loop3A_585 = arith.constant 48 : index
        %parallel_loop3A_586 = tpu.vector_load %arg6[%parallel_loop3A_584, %parallel_loop3A_585] {strides = array<i32>} : memref<128x128xf32, #tpu.memory_space<vmem>>, vector<1x16xf32>,
        %parallel_loop3A_587 = vector.shape_cast %parallel_loop3A_586 : vector<1x16xf32> to vector<16xf32>
        %parallel_loop3A_588 = vector.shape_cast %parallel_loop3A_583 : vector<16xf32> to vector<1x16xf32>
        tpu.vector_store %arg6[%parallel_loop3A_584, %parallel_loop3A_585], %parallel_loop3A_588 {strides = array<i32>} : memref<128x128xf32, #tpu.memory_space<vmem>>, vector<1x16xf32>,
        %parallel_loop3A_589 = arith.index_cast %parallel_loop3A_548 : i32 to index
        %parallel_loop3A_590 = arith.constant 64 : index
        %parallel_loop3A_591 = tpu.vector_load %arg4[%parallel_loop3A_589, %parallel_loop3A_590] {strides = array<i32>} : memref<512x128xf32, #tpu.memory_space<vmem>>, vector<1x16xf32>,
        %parallel_loop3A_592 = vector.shape_cast %parallel_loop3A_591 : vector<1x16xf32> to vector<16xf32>
        %parallel_loop3A_593 = arith.addf %parallel_loop3A_592, %get3A_481 : vector<16xf32>
        %parallel_loop3A_594 = arith.index_cast %parallel_loop3A_547 : i32 to index
        %parallel_loop3A_595 = arith.constant 64 : index
        %parallel_loop3A_596 = tpu.vector_load %arg6[%parallel_loop3A_594, %parallel_loop3A_595] {strides = array<i32>} : memref<128x128xf32, #tpu.memory_space<vmem>>, vector<1x16xf32>,
        %parallel_loop3A_597 = vector.shape_cast %parallel_loop3A_596 : vector<1x16xf32> to vector<16xf32>
        %parallel_loop3A_598 = vector.shape_cast %parallel_loop3A_593 : vector<16xf32> to vector<1x16xf32>
        tpu.vector_store %arg6[%parallel_loop3A_594, %parallel_loop3A_595], %parallel_loop3A_598 {strides = array<i32>} : memref<128x128xf32, #tpu.memory_space<vmem>>, vector<1x16xf32>,
        %parallel_loop3A_599 = arith.index_cast %parallel_loop3A_548 : i32 to index
        %parallel_loop3A_600 = arith.constant 80 : index
        %parallel_loop3A_601 = tpu.vector_load %arg4[%parallel_loop3A_599, %parallel_loop3A_600] {strides = array<i32>} : memref<512x128xf32, #tpu.memory_space<vmem>>, vector<1x16xf32>,
        %parallel_loop3A_602 = vector.shape_cast %parallel_loop3A_601 : vector<1x16xf32> to vector<16xf32>
        %parallel_loop3A_603 = arith.addf %parallel_loop3A_602, %get3A_485 : vector<16xf32>
        %parallel_loop3A_604 = arith.index_cast %parallel_loop3A_547 : i32 to index
        %parallel_loop3A_605 = arith.constant 80 : index
        %parallel_loop3A_606 = tpu.vector_load %arg6[%parallel_loop3A_604, %parallel_loop3A_605] {strides = array<i32>} : memref<128x128xf32, #tpu.memory_space<vmem>>, vector<1x16xf32>,
        %parallel_loop3A_607 = vector.shape_cast %parallel_loop3A_606 : vector<1x16xf32> to vector<16xf32>
        %parallel_loop3A_608 = vector.shape_cast %parallel_loop3A_603 : vector<16xf32> to vector<1x16xf32>
        tpu.vector_store %arg6[%parallel_loop3A_604, %parallel_loop3A_605], %parallel_loop3A_608 {strides = array<i32>} : memref<128x128xf32, #tpu.memory_space<vmem>>, vector<1x16xf32>,
        %parallel_loop3A_609 = arith.index_cast %parallel_loop3A_548 : i32 to index
        %parallel_loop3A_610 = arith.constant 96 : index
        %parallel_loop3A_611 = tpu.vector_load %arg4[%parallel_loop3A_609, %parallel_loop3A_610] {strides = array<i32>} : memref<512x128xf32, #tpu.memory_space<vmem>>, vector<1x16xf32>,
        %parallel_loop3A_612 = vector.shape_cast %parallel_loop3A_611 : vector<1x16xf32> to vector<16xf32>
        %parallel_loop3A_613 = arith.addf %parallel_loop3A_612, %get3A_489 : vector<16xf32>
        %parallel_loop3A_614 = arith.index_cast %parallel_loop3A_547 : i32 to index
        %parallel_loop3A_615 = arith.constant 96 : index
        %parallel_loop3A_616 = tpu.vector_load %arg6[%parallel_loop3A_614, %parallel_loop3A_615] {strides = array<i32>} : memref<128x128xf32, #tpu.memory_space<vmem>>, vector<1x16xf32>,
        %parallel_loop3A_617 = vector.shape_cast %parallel_loop3A_616 : vector<1x16xf32> to vector<16xf32>
        %parallel_loop3A_618 = vector.shape_cast %parallel_loop3A_613 : vector<16xf32> to vector<1x16xf32>
        tpu.vector_store %arg6[%parallel_loop3A_614, %parallel_loop3A_615], %parallel_loop3A_618 {strides = array<i32>} : memref<128x128xf32, #tpu.memory_space<vmem>>, vector<1x16xf32>,
        %parallel_loop3A_619 = arith.index_cast %parallel_loop3A_548 : i32 to index
        %parallel_loop3A_620 = arith.constant 112 : index
        %parallel_loop3A_621 = tpu.vector_load %arg4[%parallel_loop3A_619, %parallel_loop3A_620] {strides = array<i32>} : memref<512x128xf32, #tpu.memory_space<vmem>>, vector<1x16xf32>,
        %parallel_loop3A_622 = vector.shape_cast %parallel_loop3A_621 : vector<1x16xf32> to vector<16xf32>
        %parallel_loop3A_623 = arith.addf %parallel_loop3A_622, %get3A_493 : vector<16xf32>
        %parallel_loop3A_624 = arith.index_cast %parallel_loop3A_547 : i32 to index
        %parallel_loop3A_625 = arith.constant 112 : index
        %parallel_loop3A_626 = tpu.vector_load %arg6[%parallel_loop3A_624, %parallel_loop3A_625] {strides = array<i32>} : memref<128x128xf32, #tpu.memory_space<vmem>>, vector<1x16xf32>,
        %parallel_loop3A_627 = vector.shape_cast %parallel_loop3A_626 : vector<1x16xf32> to vector<16xf32>
        %parallel_loop3A_628 = vector.shape_cast %parallel_loop3A_623 : vector<16xf32> to vector<1x16xf32>
        tpu.vector_store %arg6[%parallel_loop3A_624, %parallel_loop3A_625], %parallel_loop3A_628 {strides = array<i32>} : memref<128x128xf32, #tpu.memory_space<vmem>>, vector<1x16xf32>,
      } {sc.loop_unroll_factor = 4 : i64, sc.parallel_access}
      %jit3A_497 = arith.constant 4 : i32
      %div3A_498 = arith.divsi %add3A_412, %jit3A_497 : i32
      %sign3A_499 = arith.constant 0 : i32
      %sign3A_500 = arith.cmpi sgt, %add3A_412, %sign3A_499 : i32
      %sign3A_501 = arith.extui %sign3A_500 : i1 to i32
      %sign3A_502 = arith.constant 0 : i32
      %sign3A_503 = arith.cmpi slt, %add3A_412, %sign3A_502 : i32
      %sign3A_504 = arith.extui %sign3A_503 : i1 to i32
      %sign3A_505 = arith.subi %sign3A_501, %sign3A_504 : i32
      %sign3A_506 = arith.constant 0 : i32
      %sign3A_507 = arith.cmpi sgt, %jit3A_497, %sign3A_506 : i32
      %sign3A_508 = arith.extui %sign3A_507 : i1 to i32
      %sign3A_509 = arith.constant 0 : i32
      %sign3A_510 = arith.cmpi slt, %jit3A_497, %sign3A_509 : i32
      %sign3A_511 = arith.extui %sign3A_510 : i1 to i32
      %sign3A_512 = arith.subi %sign3A_508, %sign3A_511 : i32
      %ne3A_513 = arith.cmpi ne, %sign3A_505, %sign3A_512 : i32
      %rem3A_514 = arith.remsi %add3A_412, %jit3A_497 : i32
      %ne3A_515 = arith.constant 0 : i32
      %ne3A_516 = arith.cmpi ne, %rem3A_514, %ne3A_515 : i32
      %and3A_517 = arith.andi %ne3A_513, %ne3A_516 : i1
      %sub3A_518 = arith.constant 1 : i32
      %sub3A_519 = arith.subi %div3A_498, %sub3A_518 : i32
      %select_n3A_520 = arith.select %and3A_517, %sub3A_519, %div3A_498 : i32
      %add3A_521 = arith.addi %mul3A_2, %select_n3A_520 : i32
      %jit3A_522 = arith.constant 4 : i32
      %eq3A_523 = arith.constant 0 : i32
      %eq3A_524 = arith.cmpi eq, %jit3A_522, %eq3A_523 : i32
      %jit3A_525 = arith.constant 1 : i32
      %select_n3A_526 = arith.select %eq3A_524, %jit3A_525, %jit3A_522 : i32
      %rem3A_527 = arith.remsi %add3A_412, %select_n3A_526 : i32
      %ne3A_528 = arith.constant 0 : i32
      %ne3A_529 = arith.cmpi ne, %rem3A_527, %ne3A_528 : i32
      %lt3A_530 = arith.constant 0 : i32
      %lt3A_531 = arith.cmpi slt, %rem3A_527, %lt3A_530 : i32
      %lt3A_532 = arith.constant 0 : i32
      %lt3A_533 = arith.cmpi slt, %select_n3A_526, %lt3A_532 : i32
      %ne3A_534 = arith.xori %lt3A_531, %lt3A_533 : i1
      %and3A_535 = arith.andi %ne3A_534, %ne3A_529 : i1
      %add3A_536 = arith.addi %rem3A_527, %select_n3A_526 : i32
      %select_n3A_537 = arith.select %and3A_535, %add3A_536, %rem3A_527 : i32
      %mul3A_538 = arith.constant 128 : i32
      %mul3A_539 = arith.muli %select_n3A_537, %mul3A_538 : i32
      %mul3A_540 = arith.constant 512 : i32
      %mul3A_541 = arith.muli %add3A_521, %mul3A_540 : i32
      %add3A_542 = arith.addi %mul3A_541, %mul3A_539 : i32
      %dma_start3A_543 = arith.constant 0 : i32
      %dma_start3A_544 = tpu.memref_slice %arg3[%add3A_542, %dma_start3A_543] : memref<262144x128xf32, #tpu.memory_space<hbm>> -> memref<128x128xf32, #tpu.memory_space<hbm>>
      %dma_start3A_545 = arith.constant 0 : i32
      %dma_start3A_546 = tpu.memref_slice %arg3[%add3A_542, %dma_start3A_545] : memref<262144x128xf32, #tpu.memory_space<hbm>> -> memref<128x128xf32, #tpu.memory_space<hbm>>
      tpu.enqueue_dma source(%arg6 : memref<128x128xf32, #tpu.memory_space<vmem>>) target(%dma_start3A_546 : memref<128x128xf32, #tpu.memory_space<hbm>>) target_semaphore(%arg8 : memref<!tpu.dma_semaphore, #tpu.memory_space<semaphore_mem>>)
    }
    %scan3A_258 = arith.constant 31 : i32
    %dma_wait3A = arith.constant 0 : i32
    %dma_wait3A_259 = arith.constant 0 : i32
    %dma_wait3A_260 = tpu.memref_slice %arg3[%dma_wait3A, %dma_wait3A_259] : memref<262144x128xf32, #tpu.memory_space<hbm>> -> memref<128x128xf32, #tpu.memory_space<hbm>>
    %dma_wait3A_261 = arith.constant 0 : i32
    %dma_wait3A_262 = arith.constant 0 : i32
    %dma_wait3A_263 = tpu.memref_slice %arg3[%dma_wait3A_261, %dma_wait3A_262] : memref<262144x128xf32, #tpu.memory_space<hbm>> -> memref<128x128xf32, #tpu.memory_space<hbm>>
    tpu.wait_dma2 semaphore(%arg7 : memref<!tpu.dma_semaphore, #tpu.memory_space<semaphore_mem>>) src(%arg5 : memref<128x128xf32, #tpu.memory_space<vmem>>) dst(%dma_wait3A_263 : memref<128x128xf32, #tpu.memory_space<hbm>>)
    %dma_wait3A_264 = arith.constant 0 : i32
    %dma_wait3A_265 = arith.constant 0 : i32
    %dma_wait3A_266 = tpu.memref_slice %arg3[%dma_wait3A_264, %dma_wait3A_265] : memref<262144x128xf32, #tpu.memory_space<hbm>> -> memref<128x128xf32, #tpu.memory_space<hbm>>
    %dma_wait3A_267 = arith.constant 0 : i32
    %dma_wait3A_268 = arith.constant 0 : i32
    %dma_wait3A_269 = tpu.memref_slice %arg3[%dma_wait3A_267, %dma_wait3A_268] : memref<262144x128xf32, #tpu.memory_space<hbm>> -> memref<128x128xf32, #tpu.memory_space<hbm>>
    tpu.wait_dma2 semaphore(%arg8 : memref<!tpu.dma_semaphore, #tpu.memory_space<semaphore_mem>>) src(%arg6 : memref<128x128xf32, #tpu.memory_space<vmem>>) dst(%dma_wait3A_269 : memref<128x128xf32, #tpu.memory_space<hbm>>)
    return
  }
}

</mosaic_0001>

<sc_bundles>
// kernel: kernel.3.cloned.1.call-start
scs
__scs_entry_jumppad:
0x0: {  	(pc) =	sbr.rel $0x88, $3  }
0x1: {  	(tag) =	ssettag $0x0;
	lr =	simm.s32 $0x1  }
0x2: {  	[smem:$0x3FA0] =	sst lr;
	_ =	strace $0xD0000000  }
0x3: {  	_ = 	snop  }
0x4: {  	_ = 	snop  }
0x5: {  	_ = 	snop  }
0x6: {  	_ = 	snop  }
0x7: {  	_ = 	snop  }
__scs_overlays_trampoline_lowered:
0x8: {  	[smem:$0x3FAF] =	sst s0  }
0x9: {  	[smem:$0x3FB0] =	sst s1  }
0xa: {  	[smem:$0x3FB1] =	sst s2  }
0xb: {  	[smem:$0x3FB2] =	sst s3  }
0xc: {  	[smem:$0x3FB3] =	sst s4  }
0xd: {  	[smem:$0x3FB4] =	sst s5  }
0xe: {  	[smem:$0x3FB5] =	sst s6  }
0xf: {  	[smem:$0x3FB6] =	sst s7  }
0x10: {  	[smem:$0x3FB7] =	sst s8  }
0x11: {  	[smem:$0x3FB8] =	sst s9;
	s0 =	simm.s32 @!p0 $0x0  }
0x12: {  	s1 =	sld [smem:$0x3F9E];
	s0 =	simm.s32 @p0 $0x1  }
0x13: {  	[smem:$0x3FB9] =	sst s0;
	s0 =	simm.s32 @!p1 $0x0  }
0x14: {  	s2 =	sld [smem:$0x3F9D];
	s0 =	simm.s32 @p1 $0x1  }
0x15: {  	[smem:$0x3FBA] =	sst s0;
	s0 =	simm.s32 @!p2 $0x0  }
0x16: {  	s3 =	sld [smem:$0x3FDB];
	s0 =	simm.s32 @p2 $0x1  }
0x17: {  	s4 =	simm.s32 $0x1BF5;
	[smem:$0x3FBC] =	sst s0  }
0x18: {  	s0 =	sld [smem:$0x3F9F];
	_ =	swait.ge [sflag:s4], $0x0  }
0x19: {  	s7 =	sld [smem:$0x3FA0]  }
0x1a: {  	s8 =	sadd.s32 $0xFFFFE003, lr  }
0x1b: {  	s9 =	sadd.s32 $0xFFFFFEF7, lr;
	s5 =	simm.s32 $0xFFFFFFFF;
	p2 =	slt.u32 s8, $0xFFFFF086  }
0x1c: {  	p1 =	slt.u32 s9, $0xF7A;
	s5 =	simm.s32 @!p2 $0x0  }
0x1d: {  	s5 =	simm.s32 @p1 $0x1;
	p0 =	seq.s32 s7, s2  }
0x1e: {  	s7 =	smul.u32 @!p0 $0xF7A, s2;
	p2 =	seq.s32 @!p0 s5, $0x0  }
0x1f: {  	s9 =	smul.u32 $0xF7A, s1;
	s8 =	simm.s32 @!p0 $0x1BF5;
	p2 =	por !p2, p0  }
0x20: {  	[sflag:s8] =	ssyncset.s32 @!p0 $0xFFFFF086;
	s6 =	sadd.s32 @!p0 s3, s7;
	s7 =	simm.s32 @!p0 $0x108  }
0x21: {  	s3 =	sadd.s32 s3, s9;
	s6 =	sadd.s32 @!p0 $0x88, s6;
	s7 =	simm.s32 @p2 $0x1082  }
0x22: {  	[simem:s7], [sflag:s8] =	dma.local @!p0 [hbm:s6], $0xF7A  }
0x23: {  	s9 =	sor.u32 $0xD0000000, s2;
	s6 =	simm.s32 $0x108;
	_ =	swait.ge @!p0 [sflag:s8], $0x0  }
0x24: {  	s3 =	sadd.s32 $0x88, s3;
	s6 =	simm.s32 @!p1 $0x1082;
	[sflag:s4] =	ssyncset.s32 $0xFFFFF086  }
0x25: {  	[simem:s6], [sflag:s4] =	dma.local [hbm:s3], $0xF7A  }
0x26: {  	[smem:$0x3FA0] =	sst s1;
	(tag) =	ssettag s2;
	_ =	strace s9  }
0x27: {  	s1 =	sld [smem:$0x3FB0]  }
0x28: {  	s2 =	sld [smem:$0x3FB1]  }
0x29: {  	s4 =	sld [smem:$0x3FB3]  }
0x2a: {  	p0 =	seq.s32 s5, $0x0;
	s5 =	sld [smem:$0x3FB4]  }
0x2b: {  	s6 =	sld [smem:$0x3FB5]  }
0x2c: {  	s7 =	sld [smem:$0x3FB6]  }
0x2d: {  	s3 =	simm.s32 $0x108;
	s8 =	sld [smem:$0x3FB7]  }
0x2e: {  	s3 =	simm.s32 @!p0 $0x1082;
	s9 =	sld [smem:$0x3FB8]  }
0x2f: {  	lr =	sadd.s32 s0, s3;
	s0 =	sld [smem:$0x3FAF]  }
0x30: {  	s3 =	sld [smem:$0x3FB2]  }
0x31: {  	[smem:$0x3FBB] =	sst s10  }
0x32: {  	s10 =	sld [smem:$0x3FB9];
	_ =	sdelay $0x3  }
0x33: {  	p0 =	seq.s32 s10, $0x1;
	s10 =	sld [smem:$0x3FBB];
	_ =	sdelay $0x3  }
0x34: {  	[smem:$0x3FBB] =	sst s10  }
0x35: {  	s10 =	sld [smem:$0x3FBA];
	_ =	sdelay $0x3  }
0x36: {  	p1 =	seq.s32 s10, $0x1;
	s10 =	sld [smem:$0x3FBB];
	_ =	sdelay $0x3  }
0x37: {  	[smem:$0x3FBB] =	sst s10  }
0x38: {  	s10 =	sld [smem:$0x3FBC]  }
0x39: {  	_ = 	snop;
	(pc) =	sbr.ind lr, $3  }
0x3a: {  	_ = 	snop  }
0x3b: {  	_ = 	snop  }
0x3c: {  	p2 =	seq.s32 s10, $0x1;
	s10 =	sld [smem:$0x3FBB]  }
0x3d: {  	_ =	shalt  }
0x3e: {  	_ =	shalt  }
0x3f: {  	_ =	shalt  }
0x40: {  	_ =	shalt  }
0x41: {  	_ =	shalt  }
0x42: {  	_ =	shalt  }
0x43: {  	_ =	shalt  }
0x44: {  	_ =	shalt  }
0x45: {  	_ =	shalt  }
0x46: {  	_ =	shalt  }
0x47: {  	_ =	shalt  }
0x48: {  	_ =	shalt  }
0x49: {  	_ =	shalt  }
0x4a: {  	_ =	shalt  }
0x4b: {  	_ =	shalt  }
0x4c: {  	_ =	shalt  }
0x4d: {  	_ =	shalt  }
0x4e: {  	_ =	shalt  }
0x4f: {  	_ =	shalt  }
0x50: {  	_ =	shalt  }
0x51: {  	_ =	shalt  }
0x52: {  	_ =	shalt  }
0x53: {  	_ =	shalt  }
0x54: {  	_ =	shalt  }
0x55: {  	_ =	shalt  }
0x56: {  	_ =	shalt  }
0x57: {  	_ =	shalt  }
0x58: {  	_ =	shalt  }
0x59: {  	_ =	shalt  }
0x5a: {  	_ =	shalt  }
0x5b: {  	_ =	shalt  }
0x5c: {  	_ =	shalt  }
0x5d: {  	_ =	shalt  }
0x5e: {  	_ =	shalt  }
0x5f: {  	_ =	shalt  }
0x60: {  	_ =	shalt  }
0x61: {  	_ =	shalt  }
0x62: {  	_ =	shalt  }
0x63: {  	_ =	shalt  }
0x64: {  	_ =	shalt  }
0x65: {  	_ =	shalt  }
0x66: {  	_ =	shalt  }
0x67: {  	_ =	shalt  }
0x68: {  	_ =	shalt  }
0x69: {  	_ =	shalt  }
0x6a: {  	_ =	shalt  }
0x6b: {  	_ =	shalt  }
0x6c: {  	_ =	shalt  }
0x6d: {  	_ =	shalt  }
0x6e: {  	_ =	shalt  }
0x6f: {  	_ =	shalt  }
0x70: {  	_ =	shalt  }
0x71: {  	_ =	shalt  }
0x72: {  	_ =	shalt  }
0x73: {  	_ =	shalt  }
0x74: {  	_ =	shalt  }
0x75: {  	_ =	shalt  }
0x76: {  	_ =	shalt  }
0x77: {  	_ =	shalt  }
0x78: {  	_ =	shalt  }
0x79: {  	_ =	shalt  }
0x7a: {  	_ =	shalt  }
0x7b: {  	_ =	shalt  }
0x7c: {  	_ =	shalt  }
0x7d: {  	_ =	shalt  }
0x7e: {  	_ =	shalt  }
0x7f: {  	_ =	shalt  }
0x80: {  	_ =	shalt  }
0x81: {  	_ =	shalt  }
0x82: {  	_ =	shalt  }
0x83: {  	_ =	shalt  }
0x84: {  	_ =	shalt  }
0x85: {  	_ =	shalt  }
0x86: {  	_ =	shalt  }
0x87: {  	_ =	shalt  }
.Lfunc_end0:
.L_simem_size_0:
called_computation_lowered:
.L_overlay_start_0:
0x88: {  	s2 =	sld [smem:$0x3FD9]  }
0x89: {  	s3 =	sld [smem:$0x3FFE];
	_ =	sdelay $0x1  }
0x8a: {  	s1 =	srdreg.scid  }
0x8b: {  	s0 =	sand.u32 $0x1, s1  }
0x8c: {  	s18 =	sshll.u32 s0, $0xA;
	s2 =	sadd.s32 s3, s2  }
0x8d: {  	s2 =	sadd.s32 s2, s18  }
0x8e: {  	[smem:$0x3FC7] =	sst s2  }
0x8f: {  	_ = 	snop  }
0x90: {  	s2 =	sld [smem:$0x3FC9]  }
0x91: {  	s19 =	sld [smem:$0x3FD0];
	(tm) =	ssettm $0x1  }
0x92: {  	s4 =	sld [smem:$0x3FFB];
	_ =	sdelay $0x3  }
0x93: {  	_ =	strace s4  }
0x94: {  	s4 =	sld [smem:$0x3FFC];
	_ =	sdelay $0x3  }
0x95: {  	_ =	strace s4  }
0x96: {  	s4 =	sld [smem:$0x3FFD];
	_ =	sdelay $0x3  }
0x97: {  	_ =	strace s4  }
0x98: {  	_ =	strace $0x8FFFFFFF  }
0x99: {  	s20 =	sld [smem:$0x3FDB];
	_ =	sdelay $0x1  }
0x9a: {  	s5 =	simm.s32 $_scs_section_size  }
0x9b: {  	s6 =	simm.s32 $_size__tile_overlayer_lowered;
	s7 =	simm.s32 $_tile_overlayer_lowered  }
0x9c: {  	s23 =	simm.s32 $0x1BFF;
	s22 =	sshll.u32 s7, $0x1;
	s4 =	sadd.s32 s5, s20  }
0x9d: {  	s8 =	simm.s32 $0x0;
	s21 =	sshll.u32 s6, $0x1;
	s6 =	sadd.s32 s22, s4  }
0x9e: {  	[timem:s8], [sflag:s23] =	dma.local [hbm:s6], s21  }
0x9f: {  	_ =	swait.ge [sflag:s23], s21  }
0xa0: {  	s5 =	ssub.s32 $0x0, s21;
	[sflag:s23] =	ssyncset.done $0x0  }
0xa1: {  	[sflag:s23] =	ssyncadd.s32 s5;
	_ =	sdelay $0x1  }
0xa2: {  	s24 =	simm.s32 $0x1B8B  }
0xa3: {  	_ =	swait.ge [sflag:s24], $0x1  }
0xa4: {  	[sflag:s24] =	ssyncset.done $0x0  }
0xa5: {  	s25 =	simm.s32 $0x1B8E;
	[sflag:s24] =	ssyncadd.s32 $0xFFFFFFFF  }
0xa6: {  	s26 =	simm.s32 $execute0_lowered;
	[smem:$0x3FD2] =	sst s25  }
0xa7: {  	s5 =	sshll.u32 s26, $0x1;
	_ =	strace $0x80000046;
	[dreg:$0x1] =	wrdreg $0xFFFFFFFF  }
0xa8: {  	s28 =	simm.s32 $_size_execute0_lowered;
	s4 =	sadd.s32 s4, s5;
	[dreg:$0x0] =	wrdreg $0x0  }
0xa9: {  	s5 =	sshll.u32 s28, $0x1;
	[dreg:$0x2] =	wrdreg s4  }
0xaa: {  	[dreg:$0x3] =	wrdreg s5  }
0xab: {  	[dreg:$0x4] =	wrdreg $0xC0  }
0xac: {  	_ =	task [dreg:s8], $0x5FFFF  }
0xad: {  	[dreg:$0x1] =	wrdreg $0xFFFFFFFF  }
0xae: {  	[dreg:$0x0] =	wrdreg $0x60  }
0xaf: {  	[dreg:$0x2] =	wrdreg s2  }
0xb0: {  	[dreg:$0x3] =	wrdreg s19  }
0xb1: {  	[dreg:$0x4] =	wrdreg $0x9  }
0xb2: {  	_ =	task.clear_ibuf [dreg:s8], $0x5FFFF;
	_ =	strace $0x90000046  }
0xb3: {  	s29 =	simm.s32 $0x9;
	_ =	strace $0x80000048  }
0xb4: {  	_ =	swait.ge [sflag:s29], $0x1  }
0xb5: {  	[sflag:s29] =	ssyncadd.s32 $0xFFFFFFFF  }
0xb6: {  	_ =	strace $0x90000048  }
0xb7: {  	_ =	sfence  }
0xb8: {  	s30 =	sld [smem:$0x0];
	_ =	sdelay $0x2  }
0xb9: {  	s31 =	sshll.u32 s1, $0xD;
	s1 =	sshrl.u32 s1, $0x2  }
0xba: {  	s3 =	sand.u32 $0x4000, s31;
	s1 =	sadd.s32 s1, s30  }
0xbb: {  	s0 =	sor.u32 s3, s0;
	s1 =	sshll.u32 s1, $0x11  }
0xbc: {  	s0 =	sor.u32 s1, s0  }
0xbd: {  	s0 =	sadd.s32 $0x8F2B, s0  }
0xbe: {  	[sflag:s0] =	ssyncadd.remote.s32 $0x1  }
0xbf: {  	_ =	sfence.sel $0xFFFF  }
0xc0: {  	[dreg:$0x0] =	wrdreg $0xFFFFFFFF;
	(pc) =	sbr.abs _section_cstart, $3  }
0xc1: {  	[dreg:$0x1] =	wrdreg $0xFFFFFFFF  }
0xc2: {  	_ =	task.clear_ibuf [dreg:s8], $0x2FFFF;
	_ =	strace $0x9FFFFFFF  }
0xc3: {  	(tm) =	ssettm $0x7FFFFFFF  }
tec
execute0_lowered:
.L_overlay_start_1:
0x0: {  	(tag) =	ssettag $0x1  }
0x1: {  	s2 =	rddreg [dreg:$0x0]  }
0x2: {  	s3 =	rddreg [dreg:$0x1]  }
0x3: {  	s0 =	rddreg [dreg:$0x2]  }
0x4: {  	s5 =	srdreg.scid;
	s1 =	stileid.u32  }
0x5: {  	s4 =	simm.s32 $0x0;
	s10 =	simm.s32 $0x3;
	s11 =	simm.s32 $0x10000  }
0x6: {  	s12 =	simm.s32 $0x14000;
	s13 =	simm.s32 $0x1;
	s14 =	simm.s32 $0x2  }
0x7: {  	s15 =	simm.s32 $0x0;
	s5 =	sand.u32 $0x1, s5;
	s6 =	sshll.u32 s1, $0x1  }
0x8: {  	[smem:$0x7FF] =	sst s4;
	s7 =	ssub.s32 $0x2, s5;
	s8 =	sor.u32 s5, s6  }
0x9: {  	_ =	strace $0x80000047;
	s31 =	sshrl.u32 s7, $0x1;
	s6 =	sshll.u32 s8, $0x11  }
0xa: {  	s5 =	sshll.u32 s8, $0x4;
	s9 =	ssub.s32 s7, s31;
	s6 =	sadd.s32 s3, s6  }
0xb: {  	s7 =	sshll.u32 s8, $0xB;
	s8 =	sadd.s32 $0x800, s6;
	s9 =	smax.u32 s9, $0x1  }
.LBB2_1:
0xc: {  	[tilespmem:s4], [sflag:$0x3] =	stream.linear.gather [hbm4b:s2+s4], $0x10000, $0x38;
	[tilespmem:$0x18000] =	vst v63  }
0xd: {  	_ =	swait.ge [sflag:s10], $0x10000  }
0xe: {  	[sflag:s10] =	ssyncset.done $0x0  }
0xf: {  	[sflag:s10] =	ssyncadd.s32 $0xFFFF0000  }
0x10: {  	v4 =	vld [tilespmem:s7+$0x0]  }
0x11: {  	v6 =	vld [tilespmem:s7+$0x10]  }
0x12: {  	v7 =	vld [tilespmem:s7+$0x20]  }
0x13: {  	s20 =	simm.s32 $0x100;
	v5 =	vld [tilespmem:s7+$0x30]  }
0x14: {  	v8 =	vld [tilespmem:s20+$0x80]  }
0x15: {  	v3 =	vld [tilespmem:s7+$0x40]  }
0x16: {  	v2 =	vld [tilespmem:s7+$0x50]  }
0x17: {  	v1 =	vld [tilespmem:s7+$0x60]  }
0x18: {  	v9 =	vld [tilespmem:s20+$0xFFFFFF00]  }
0x19: {  	v10 =	vld [tilespmem:s20+$0xFFFFFF80];
	v8 =	vadd.f32 v8, v4  }
0x1a: {  	s16 =	simm.s32 $0x10100;
	v11 =	vld [tilespmem:s20+$0x0]  }
0x1b: {  	v0 =	vld [tilespmem:s7+$0x70];
	[tilespmem:s16+$0x80] =	vst v8  }
0x1c: {  	v8 =	vld [tilespmem:s20+$0x90]  }
0x1d: {  	v9 =	vadd.f32 v9, v4  }
0x1e: {  	v10 =	vadd.f32 v10, v4  }
0x1f: {  	v11 =	vadd.f32 v11, v4;
	[tilespmem:s16+$0xFFFFFF00] =	vst v9  }
0x20: {  	[tilespmem:s16+$0xFFFFFF80] =	vst v10;
	v9 =	vld [tilespmem:s20+$0xFFFFFF10]  }
0x21: {  	[tilespmem:s16+$0x0] =	vst v11;
	v10 =	vld [tilespmem:s20+$0xFFFFFF90];
	v8 =	vadd.f32 v8, v6  }
0x22: {  	v11 =	vld [tilespmem:s20+$0x10]  }
0x23: {  	[tilespmem:s16+$0x90] =	vst v8  }
0x24: {  	v8 =	vld [tilespmem:s20+$0xA0]  }
0x25: {  	v9 =	vadd.f32 v9, v6  }
0x26: {  	v10 =	vadd.f32 v10, v6  }
0x27: {  	v11 =	vadd.f32 v11, v6;
	[tilespmem:s16+$0xFFFFFF10] =	vst v9  }
0x28: {  	[tilespmem:s16+$0xFFFFFF90] =	vst v10;
	v9 =	vld [tilespmem:s20+$0xFFFFFF20]  }
0x29: {  	[tilespmem:s16+$0x10] =	vst v11;
	v10 =	vld [tilespmem:s20+$0xFFFFFFA0];
	v8 =	vadd.f32 v8, v7  }
0x2a: {  	v11 =	vld [tilespmem:s20+$0x20]  }
0x2b: {  	[tilespmem:s16+$0xA0] =	vst v8  }
0x2c: {  	v8 =	vld [tilespmem:s20+$0xB0]  }
0x2d: {  	v9 =	vadd.f32 v9, v7  }
0x2e: {  	v10 =	vadd.f32 v10, v7  }
0x2f: {  	v11 =	vadd.f32 v11, v7;
	[tilespmem:s16+$0xFFFFFF20] =	vst v9  }
0x30: {  	[tilespmem:s16+$0xFFFFFFA0] =	vst v10;
	v9 =	vld [tilespmem:s20+$0xFFFFFF30]  }
0x31: {  	[tilespmem:s16+$0x20] =	vst v11;
	v10 =	vld [tilespmem:s20+$0xFFFFFFB0];
	v8 =	vadd.f32 v8, v5  }
0x32: {  	s17 =	simm.s32 $0x300;
	v11 =	vld [tilespmem:s20+$0x30]  }
0x33: {  	[tilespmem:s16+$0xB0] =	vst v8;
	v8 =	vld [tilespmem:s17+$0x80]  }
0x34: {  	v12 =	vld [tilespmem:s20+$0xC0]  }
0x35: {  	v13 =	vld [tilespmem:s17+$0xFFFFFF80];
	v9 =	vadd.f32 v9, v5  }
0x36: {  	v14 =	vld [tilespmem:s17+$0x0];
	v10 =	vadd.f32 v10, v5  }
0x37: {  	v11 =	vadd.f32 v11, v5;
	[tilespmem:s16+$0xFFFFFF30] =	vst v9;
	v9 =	vld [tilespmem:s17+$0xFFFFFF00]  }
0x38: {  	[tilespmem:s16+$0xFFFFFFB0] =	vst v10;
	v10 =	vld [tilespmem:s20+$0xFFFFFF40];
	v8 =	vadd.f32 v8, v4  }
0x39: {  	s18 =	simm.s32 $0x10300;
	[tilespmem:s16+$0x30] =	vst v11;
	v11 =	vld [tilespmem:s20+$0xFFFFFFC0];
	v12 =	vadd.f32 v12, v3  }
0x3a: {  	v13 =	vadd.f32 v13, v4;
	[tilespmem:s18+$0x80] =	vst v8;
	v8 =	vld [tilespmem:s20+$0x40]  }
0x3b: {  	v14 =	vadd.f32 v14, v4;
	v15 =	vld [tilespmem:s17+$0x90];
	[tilespmem:s16+$0xC0] =	vst v12  }
0x3c: {  	[tilespmem:s18+$0xFFFFFF80] =	vst v13;
	v9 =	vadd.f32 v9, v4;
	v12 =	vld [tilespmem:s20+$0xD0]  }
0x3d: {  	[tilespmem:s18+$0x0] =	vst v14;
	v13 =	vld [tilespmem:s17+$0xFFFFFF90];
	v10 =	vadd.f32 v10, v3  }
0x3e: {  	v11 =	vadd.f32 v11, v3;
	[tilespmem:s18+$0xFFFFFF00] =	vst v9;
	v9 =	vld [tilespmem:s17+$0x10]  }
0x3f: {  	v14 =	vld [tilespmem:s17+$0xFFFFFF10];
	[tilespmem:s16+$0xFFFFFF40] =	vst v10;
	v8 =	vadd.f32 v8, v3  }
0x40: {  	[tilespmem:s16+$0xFFFFFFC0] =	vst v11;
	v10 =	vadd.f32 v15, v6;
	v15 =	vld [tilespmem:s20+$0xFFFFFF50]  }
0x41: {  	v11 =	vld [tilespmem:s20+$0xFFFFFFD0];
	[tilespmem:s16+$0x40] =	vst v8;
	v8 =	vadd.f32 v12, v2  }
0x42: {  	v12 =	vadd.f32 v13, v6;
	[tilespmem:s18+$0x90] =	vst v10;
	v10 =	vld [tilespmem:s20+$0x50]  }
0x43: {  	v9 =	vadd.f32 v9, v6;
	v13 =	vld [tilespmem:s17+$0xA0];
	[tilespmem:s16+$0xD0] =	vst v8  }
0x44: {  	v8 =	vadd.f32 v14, v6;
	[tilespmem:s18+$0xFFFFFF90] =	vst v12;
	v12 =	vld [tilespmem:s20+$0xE0]  }
0x45: {  	[tilespmem:s18+$0x10] =	vst v9;
	v14 =	vld [tilespmem:s17+$0xFFFFFFA0];
	v9 =	vadd.f32 v15, v2  }
0x46: {  	v11 =	vadd.f32 v11, v2;
	[tilespmem:s18+$0xFFFFFF10] =	vst v8;
	v8 =	vld [tilespmem:s17+$0x20]  }
0x47: {  	v15 =	vld [tilespmem:s17+$0xFFFFFF20];
	[tilespmem:s16+$0xFFFFFF50] =	vst v9;
	v9 =	vadd.f32 v10, v2  }
0x48: {  	[tilespmem:s16+$0xFFFFFFD0] =	vst v11;
	v10 =	vadd.f32 v13, v7;
	v13 =	vld [tilespmem:s20+$0xFFFFFF60]  }
0x49: {  	v11 =	vld [tilespmem:s20+$0xFFFFFFE0];
	[tilespmem:s16+$0x50] =	vst v9;
	v9 =	vadd.f32 v12, v1  }
0x4a: {  	v12 =	vadd.f32 v14, v7;
	[tilespmem:s18+$0xA0] =	vst v10;
	v10 =	vld [tilespmem:s20+$0x60]  }
0x4b: {  	v8 =	vadd.f32 v8, v7;
	v14 =	vld [tilespmem:s17+$0xB0];
	[tilespmem:s16+$0xE0] =	vst v9  }
0x4c: {  	v9 =	vadd.f32 v15, v7;
	[tilespmem:s18+$0xFFFFFFA0] =	vst v12;
	v15 =	vld [tilespmem:s20+$0xF0]  }
0x4d: {  	v16 =	vld [tilespmem:s17+$0xFFFFFFB0];
	[tilespmem:s18+$0x20] =	vst v8;
	v8 =	vadd.f32 v13, v1  }
0x4e: {  	v11 =	vadd.f32 v11, v1;
	[tilespmem:s18+$0xFFFFFF20] =	vst v9;
	v12 =	vld [tilespmem:s17+$0x30]  }
0x4f: {  	v13 =	vld [tilespmem:s17+$0xFFFFFF30];
	[tilespmem:s16+$0xFFFFFF60] =	vst v8;
	v10 =	vadd.f32 v10, v1  }
0x50: {  	[tilespmem:s16+$0xFFFFFFE0] =	vst v11;
	v17 =	vadd.f32 v14, v5;
	v9 =	vld [tilespmem:s20+$0xFFFFFF70]  }
0x51: {  	v8 =	vld [tilespmem:s20+$0xFFFFFFF0];
	[tilespmem:s16+$0x60] =	vst v10;
	v11 =	vadd.f32 v15, v0  }
0x52: {  	s19 =	simm.s32 $0x4;
	s21 =	simm.s32 $0x500;
	v14 =	vadd.f32 v16, v5;
	[tilespmem:s18+$0xB0] =	vst v17;
	v10 =	vld [tilespmem:s20+$0x70]  }
.LBB2_2:
0x53: {  	v15 =	vld [tilespmem:s21+$0x80];
	v12 =	vadd.f32 v12, v5;
	[tilespmem:s16+$0xF0] =	vst v11  }
0x54: {  	s19 =	sadd.s32 $0x4, s19;
	v11 =	vadd.f32 v13, v5;
	[tilespmem:s18+$0xFFFFFFB0] =	vst v14;
	v13 =	vld [tilespmem:s17+$0xC0]  }
0x55: {  	p0 =	slt.u32 s19, $0x7C;
	v14 =	vld [tilespmem:s21+$0xFFFFFF80];
	[tilespmem:s18+$0x30] =	vst v12;
	v9 =	vadd.f32 v9, v0  }
0x56: {  	v12 =	vld [tilespmem:s21+$0x0];
	[tilespmem:s18+$0xFFFFFF30] =	vst v11;
	v8 =	vadd.f32 v8, v0  }
0x57: {  	v11 =	vld [tilespmem:s21+$0xFFFFFF00];
	[tilespmem:s16+$0xFFFFFF70] =	vst v9;
	v9 =	vadd.f32 v10, v0  }
0x58: {  	v10 =	vadd.f32 v15, v4;
	v15 =	vld [tilespmem:s17+$0xFFFFFF40];
	[tilespmem:s16+$0xFFFFFFF0] =	vst v8  }
0x59: {  	v8 =	vld [tilespmem:s17+$0xFFFFFFC0];
	v13 =	vadd.f32 v13, v3;
	[tilespmem:s16+$0x70] =	vst v9;
	s16 =	smov.u32 s18;
	s18 =	sadd.s32 $0x200, s18  }
0x5a: {  	v9 =	vadd.f32 v14, v4;
	[tilespmem:s18+$0x80] =	vst v10;
	v10 =	vld [tilespmem:s17+$0x40]  }
0x5b: {  	v12 =	vadd.f32 v12, v4;
	v14 =	vld [tilespmem:s21+$0x90];
	[tilespmem:s16+$0xC0] =	vst v13  }
0x5c: {  	v11 =	vadd.f32 v11, v4;
	[tilespmem:s18+$0xFFFFFF80] =	vst v9;
	v9 =	vld [tilespmem:s17+$0xD0]  }
0x5d: {  	v13 =	vld [tilespmem:s21+$0xFFFFFF90];
	[tilespmem:s18+$0x0] =	vst v12;
	v12 =	vadd.f32 v15, v3  }
0x5e: {  	[tilespmem:s18+$0xFFFFFF00] =	vst v11;
	v11 =	vld [tilespmem:s21+$0x10];
	v8 =	vadd.f32 v8, v3  }
0x5f: {  	v15 =	vld [tilespmem:s21+$0xFFFFFF10];
	[tilespmem:s16+$0xFFFFFF40] =	vst v12;
	v10 =	vadd.f32 v10, v3  }
0x60: {  	v12 =	vadd.f32 v14, v6;
	v14 =	vld [tilespmem:s17+$0xFFFFFF50];
	[tilespmem:s16+$0xFFFFFFC0] =	vst v8  }
0x61: {  	v8 =	vld [tilespmem:s17+$0xFFFFFFD0];
	[tilespmem:s16+$0x40] =	vst v10;
	v9 =	vadd.f32 v9, v2  }
0x62: {  	v10 =	vadd.f32 v13, v6;
	[tilespmem:s18+$0x90] =	vst v12;
	v12 =	vld [tilespmem:s17+$0x50]  }
0x63: {  	v11 =	vadd.f32 v11, v6;
	v13 =	vld [tilespmem:s21+$0xA0];
	[tilespmem:s16+$0xD0] =	vst v9  }
0x64: {  	v9 =	vadd.f32 v15, v6;
	[tilespmem:s18+$0xFFFFFF90] =	vst v10;
	v10 =	vld [tilespmem:s17+$0xE0]  }
0x65: {  	v15 =	vld [tilespmem:s21+$0xFFFFFFA0];
	[tilespmem:s18+$0x10] =	vst v11;
	v11 =	vadd.f32 v14, v2  }
0x66: {  	[tilespmem:s18+$0xFFFFFF10] =	vst v9;
	v9 =	vld [tilespmem:s21+$0x20];
	v8 =	vadd.f32 v8, v2  }
0x67: {  	v14 =	vld [tilespmem:s21+$0xFFFFFF20];
	[tilespmem:s16+$0xFFFFFF50] =	vst v11;
	v11 =	vadd.f32 v12, v2  }
0x68: {  	v12 =	vadd.f32 v13, v7;
	v13 =	vld [tilespmem:s17+$0xFFFFFF60];
	[tilespmem:s16+$0xFFFFFFD0] =	vst v8  }
0x69: {  	v8 =	vld [tilespmem:s17+$0xFFFFFFE0];
	[tilespmem:s16+$0x50] =	vst v11;
	v10 =	vadd.f32 v10, v1  }
0x6a: {  	v11 =	vadd.f32 v15, v7;
	[tilespmem:s18+$0xA0] =	vst v12;
	v15 =	vld [tilespmem:s17+$0x60]  }
0x6b: {  	v9 =	vadd.f32 v9, v7;
	v16 =	vld [tilespmem:s21+$0xB0];
	[tilespmem:s16+$0xE0] =	vst v10  }
0x6c: {  	v10 =	vadd.f32 v14, v7;
	[tilespmem:s18+$0xFFFFFFA0] =	vst v11;
	v11 =	vld [tilespmem:s17+$0xF0]  }
0x6d: {  	v14 =	vld [tilespmem:s21+$0xFFFFFFB0];
	[tilespmem:s18+$0x20] =	vst v9;
	v9 =	vadd.f32 v13, v1  }
.Ltmp0:
0x6e: {  	[tilespmem:s18+$0xFFFFFF20] =	vst v10;
	v12 =	vld [tilespmem:s21+$0x30];
	v8 =	vadd.f32 v8, v1;
	(pc) =	sbr.rel @p0 .LBB2_2-.Ltmp0, $4  }
0x6f: {  	v13 =	vld [tilespmem:s21+$0xFFFFFF30];
	[tilespmem:s16+$0xFFFFFF60] =	vst v9;
	v10 =	vadd.f32 v15, v1  }
0x70: {  	v15 =	vadd.f32 v16, v5;
	v9 =	vld [tilespmem:s17+$0xFFFFFF70];
	[tilespmem:s16+$0xFFFFFFE0] =	vst v8  }
0x71: {  	v8 =	vld [tilespmem:s17+$0xFFFFFFF0];
	[tilespmem:s16+$0x60] =	vst v10;
	v11 =	vadd.f32 v11, v0  }
0x72: {  	v14 =	vadd.f32 v14, v5;
	[tilespmem:s18+$0xB0] =	vst v15;
	v10 =	vld [tilespmem:s17+$0x70];
	s17 =	smov.u32 s21;
	s21 =	sadd.s32 $0x200, s21  }
0x73: {  	_ = 	snop  }
0x74: {  	v4 =	vadd.f32 v13, v5  }
0x75: {  	v6 =	vld [tilespmem:s17+$0xC0];
	v5 =	vadd.f32 v12, v5;
	[tilespmem:s18+$0xFFFFFFB0] =	vst v14  }
0x76: {  	[tilespmem:s18+$0xFFFFFF30] =	vst v4  }
0x77: {  	[tilespmem:s18+$0x30] =	vst v5;
	v5 =	vld [tilespmem:s17+$0xFFFFFFC0]  }
0x78: {  	v4 =	vld [tilespmem:s17+$0xFFFFFF40]  }
0x79: {  	v7 =	vld [tilespmem:s17+$0x40]  }
0x7a: {  	v6 =	vadd.f32 v6, v3;
	_ =	sdelay $0x1  }
0x7b: {  	[tilespmem:s18+$0xC0] =	vst v6;
	v5 =	vadd.f32 v5, v3  }
0x7c: {  	v6 =	vld [tilespmem:s17+$0xD0];
	v4 =	vadd.f32 v4, v3  }
0x7d: {  	v3 =	vadd.f32 v7, v3;
	[tilespmem:s18+$0xFFFFFFC0] =	vst v5  }
0x7e: {  	[tilespmem:s18+$0xFFFFFF40] =	vst v4;
	v5 =	vld [tilespmem:s17+$0xFFFFFFD0]  }
0x7f: {  	[tilespmem:s18+$0x40] =	vst v3;
	v4 =	vld [tilespmem:s17+$0xFFFFFF50]  }
0x80: {  	v3 =	vld [tilespmem:s17+$0x50]  }
0x81: {  	v6 =	vadd.f32 v6, v2;
	_ =	sdelay $0x1  }
0x82: {  	[tilespmem:s18+$0xD0] =	vst v6;
	v5 =	vadd.f32 v5, v2  }
0x83: {  	v6 =	vld [tilespmem:s17+$0xE0];
	v4 =	vadd.f32 v4, v2  }
0x84: {  	v2 =	vadd.f32 v3, v2;
	[tilespmem:s18+$0xFFFFFFD0] =	vst v5  }
0x85: {  	[tilespmem:s18+$0xFFFFFF50] =	vst v4;
	v4 =	vld [tilespmem:s17+$0xFFFFFFE0]  }
0x86: {  	[tilespmem:s18+$0x50] =	vst v2;
	v3 =	vld [tilespmem:s17+$0xFFFFFF60]  }
0x87: {  	v2 =	vld [tilespmem:s17+$0x60]  }
0x88: {  	v5 =	vadd.f32 v6, v1;
	_ =	sdelay $0x1  }
0x89: {  	[tilespmem:s18+$0xE0] =	vst v5;
	v4 =	vadd.f32 v4, v1  }
0x8a: {  	v5 =	vld [tilespmem:s17+$0xF0];
	v3 =	vadd.f32 v3, v1  }
0x8b: {  	v1 =	vadd.f32 v2, v1;
	[tilespmem:s18+$0xFFFFFFE0] =	vst v4  }
0x8c: {  	[tilespmem:s18+$0xFFFFFF60] =	vst v3;
	v4 =	vld [tilespmem:s17+$0xFFFFFFF0]  }
0x8d: {  	[tilespmem:s18+$0x60] =	vst v1;
	v1 =	vadd.f32 v8, v0;
	v2 =	vld [tilespmem:s17+$0xFFFFFF70]  }
0x8e: {  	[tilespmem:s16+$0xF0] =	vst v11;
	v3 =	vadd.f32 v9, v0;
	v6 =	vld [tilespmem:s17+$0x70]  }
0x8f: {  	[tilespmem:s16+$0xFFFFFFF0] =	vst v1;
	v1 =	vadd.f32 v5, v0  }
0x90: {  	[tilespmem:s16+$0xFFFFFF70] =	vst v3;
	v3 =	vadd.f32 v10, v0  }
0x91: {  	[tilespmem:s18+$0xF0] =	vst v1;
	v1 =	vadd.f32 v4, v0  }
0x92: {  	[tilespmem:s16+$0x70] =	vst v3;
	v2 =	vadd.f32 v2, v0  }
0x93: {  	v0 =	vadd.f32 v6, v0;
	[tilespmem:s18+$0xFFFFFFF0] =	vst v1  }
0x94: {  	[tilespmem:s18+$0xFFFFFF70] =	vst v2  }
0x95: {  	s31 =	simm.s32 $0x0;
	[tilespmem:s18+$0x70] =	vst v0  }
0x96: {  	[hbm4b:s6+s31] =	stream.linear.scatter [tilespmem:s11], [sflag:$0x1], $0x4000, $0x38;
	[tilespmem:$0x18000] =	vst v63  }
0x97: {  	v6 =	vld [tilespmem:s7+$0x0]  }
0x98: {  	v5 =	vld [tilespmem:s7+$0x10]  }
0x99: {  	v4 =	vld [tilespmem:s7+$0x20]  }
0x9a: {  	v3 =	vld [tilespmem:s7+$0x30]  }
0x9b: {  	v2 =	vld [tilespmem:s7+$0x40]  }
0x9c: {  	v1 =	vld [tilespmem:s7+$0x50]  }
0x9d: {  	v0 =	vld [tilespmem:s7+$0x60]  }
0x9e: {  	s16 =	simm.s32 $0x0;
	v7 =	vld [tilespmem:s7+$0x70]  }
0x9f: {  	v9 =	vld [tilespmem:s16+$0x4000]  }
0xa0: {  	v8 =	vld [tilespmem:s16+$0x41F0]  }
0xa1: {  	v10 =	vld [tilespmem:s16+$0x4010]  }
0xa2: {  	v11 =	vld [tilespmem:s16+$0x4020]  }
0xa3: {  	v15 =	vld [tilespmem:s16+$0x4060]  }
0xa4: {  	v13 =	vld [tilespmem:s16+$0x4040];
	v9 =	vadd.f32 v9, v6  }
0xa5: {  	v12 =	vld [tilespmem:s16+$0x4030];
	v8 =	vadd.f32 v8, v7  }
0xa6: {  	v16 =	vld [tilespmem:s16+$0x4080];
	v10 =	vadd.f32 v10, v5;
	[tilespmem:s16+$0x14000] =	vst v9  }
0xa7: {  	v14 =	vld [tilespmem:s16+$0x4050];
	[tilespmem:s16+$0x141F0] =	vst v8;
	v8 =	vadd.f32 v11, v4  }
0xa8: {  	v15 =	vadd.f32 v15, v0;
	v9 =	vld [tilespmem:s16+$0x4070];
	[tilespmem:s16+$0x14010] =	vst v10  }
0xa9: {  	v11 =	vld [tilespmem:s16+$0x4090];
	[tilespmem:s16+$0x14020] =	vst v8;
	v8 =	vadd.f32 v13, v2  }
0xaa: {  	v10 =	vadd.f32 v12, v3;
	v12 =	vld [tilespmem:s16+$0x40A0];
	[tilespmem:s16+$0x14060] =	vst v15  }
0xab: {  	v13 =	vld [tilespmem:s16+$0x40B0];
	[tilespmem:s16+$0x14040] =	vst v8;
	v8 =	vadd.f32 v16, v6  }
0xac: {  	[tilespmem:s16+$0x14030] =	vst v10;
	v10 =	vadd.f32 v14, v1;
	v14 =	vld [tilespmem:s16+$0x40C0]  }
0xad: {  	v62 =	vld [tilespmem:s16+$0x40D0];
	[tilespmem:s16+$0x14080] =	vst v8;
	v8 =	vadd.f32 v9, v7  }
0xae: {  	[tilespmem:s16+$0x14050] =	vst v10;
	v9 =	vadd.f32 v11, v5;
	v11 =	vld [tilespmem:s16+$0x40F0]  }
0xaf: {  	v10 =	vld [tilespmem:s16+$0x40E0];
	[tilespmem:s16+$0x14070] =	vst v8;
	v8 =	vadd.f32 v12, v4  }
0xb0: {  	v12 =	vld [tilespmem:s16+$0x4100];
	[tilespmem:s16+$0x14090] =	vst v9;
	v9 =	vadd.f32 v13, v3  }
0xb1: {  	v13 =	vld [tilespmem:s16+$0x4110];
	[tilespmem:s16+$0x140A0] =	vst v8;
	v8 =	vadd.f32 v14, v2  }
0xb2: {  	v14 =	vld [tilespmem:s16+$0x4120];
	[tilespmem:s16+$0x140B0] =	vst v9;
	v9 =	vadd.f32 v62, v1  }
0xb3: {  	v15 =	vld [tilespmem:s16+$0x4130];
	v11 =	vadd.f32 v11, v7;
	[tilespmem:s16+$0x140C0] =	vst v8  }
0xb4: {  	v8 =	vadd.f32 v10, v0;
	v10 =	vld [tilespmem:s16+$0x4140];
	[tilespmem:s16+$0x140D0] =	vst v9  }
0xb5: {  	v9 =	vadd.f32 v12, v6;
	v12 =	vld [tilespmem:s16+$0x4150];
	[tilespmem:s16+$0x140F0] =	vst v11  }
0xb6: {  	v63 =	vld [tilespmem:s16+$0x4160];
	[tilespmem:s16+$0x140E0] =	vst v8;
	v8 =	vadd.f32 v13, v5  }
0xb7: {  	v13 =	vld [tilespmem:s16+$0x4170];
	[tilespmem:s16+$0x14100] =	vst v9;
	v9 =	vadd.f32 v14, v4  }
0xb8: {  	[tilespmem:s16+$0x14110] =	vst v8;
	v8 =	vadd.f32 v15, v3;
	v15 =	vld [tilespmem:s16+$0x4180]  }
0xb9: {  	v11 =	vld [tilespmem:s16+$0x4190];
	[tilespmem:s16+$0x14120] =	vst v9;
	v9 =	vadd.f32 v10, v2  }
0xba: {  	[tilespmem:s16+$0x14130] =	vst v8;
	v10 =	vadd.f32 v12, v1;
	v8 =	vld [tilespmem:s16+$0x41A0]  }
0xbb: {  	v12 =	vadd.f32 v63, v0;
	[tilespmem:s16+$0x14140] =	vst v9;
	v9 =	vld [tilespmem:s16+$0x41B0]  }
0xbc: {  	v14 =	vadd.f32 v13, v7;
	[tilespmem:s16+$0x14150] =	vst v10;
	v10 =	vld [tilespmem:s16+$0x41C0]  }
0xbd: {  	s17 =	simm.s32 $0x0;
	s18 =	simm.s32 $0x800;
	[tilespmem:s16+$0x14160] =	vst v12;
	v12 =	vld [tilespmem:s16+$0x41D0];
	v13 =	vadd.f32 v15, v6  }
.LBB2_4:
0xbe: {  	s19 =	sshra.s32 s18, $0x2;
	s17 =	sadd.s32 $0x4, s17;
	[tilespmem:s16+$0x14170] =	vst v14;
	v11 =	vadd.f32 v11, v5;
	v14 =	vld [tilespmem:s16+$0x41E0]  }
0xbf: {  	v15 =	vld [tilespmem:s19+$0x41F0];
	p0 =	slt.u32 s17, $0x7C;
	[tilespmem:s16+$0x14180] =	vst v13;
	v8 =	vadd.f32 v8, v4  }
0xc0: {  	v13 =	vld [tilespmem:s19+$0x4000];
	[tilespmem:s16+$0x14190] =	vst v11;
	v9 =	vadd.f32 v9, v3  }
0xc1: {  	v11 =	vld [tilespmem:s19+$0x4010];
	[tilespmem:s16+$0x141A0] =	vst v8;
	v8 =	vadd.f32 v10, v2  }
0xc2: {  	v10 =	vld [tilespmem:s19+$0x4020];
	[tilespmem:s16+$0x141B0] =	vst v9;
	v9 =	vadd.f32 v12, v1  }
0xc3: {  	v12 =	vld [tilespmem:s19+$0x4030];
	[tilespmem:s16+$0x141C0] =	vst v8;
	v8 =	vadd.f32 v14, v0  }
0xc4: {  	v14 =	vld [tilespmem:s19+$0x4040];
	v15 =	vadd.f32 v15, v7;
	[tilespmem:s16+$0x141D0] =	vst v9  }
0xc5: {  	v9 =	vadd.f32 v13, v6;
	v13 =	vld [tilespmem:s19+$0x4050];
	[tilespmem:s16+$0x141E0] =	vst v8;
	s16 =	smov.u32 s19  }
0xc6: {  	v8 =	vadd.f32 v11, v5;
	v11 =	vld [tilespmem:s16+$0x4060];
	[tilespmem:s16+$0x141F0] =	vst v15  }
0xc7: {  	[tilespmem:s16+$0x14000] =	vst v9;
	v9 =	vadd.f32 v10, v4;
	v10 =	vld [tilespmem:s16+$0x4070]  }
0xc8: {  	[tilespmem:s16+$0x14010] =	vst v8;
	v8 =	vadd.f32 v12, v3;
	v12 =	vld [tilespmem:s16+$0x4080]  }
0xc9: {  	[tilespmem:s16+$0x14020] =	vst v9;
	v9 =	vadd.f32 v14, v2;
	v14 =	vld [tilespmem:s16+$0x4090]  }
0xca: {  	[tilespmem:s16+$0x14030] =	vst v8;
	v8 =	vadd.f32 v13, v1;
	v13 =	vld [tilespmem:s16+$0x40A0]  }
0xcb: {  	[tilespmem:s16+$0x14040] =	vst v9;
	v9 =	vadd.f32 v11, v0;
	v11 =	vld [tilespmem:s16+$0x40B0]  }
0xcc: {  	[tilespmem:s16+$0x14050] =	vst v8;
	v8 =	vadd.f32 v10, v7;
	v10 =	vld [tilespmem:s16+$0x40C0]  }
0xcd: {  	[tilespmem:s16+$0x14060] =	vst v9;
	v9 =	vadd.f32 v12, v6;
	v12 =	vld [tilespmem:s16+$0x40D0]  }
0xce: {  	[tilespmem:s16+$0x14070] =	vst v8;
	v8 =	vadd.f32 v14, v5;
	v14 =	vld [tilespmem:s16+$0x40E0]  }
0xcf: {  	[tilespmem:s16+$0x14080] =	vst v9;
	v9 =	vadd.f32 v13, v4;
	v13 =	vld [tilespmem:s16+$0x40F0]  }
0xd0: {  	[tilespmem:s16+$0x14090] =	vst v8;
	v8 =	vadd.f32 v11, v3;
	v11 =	vld [tilespmem:s16+$0x4100]  }
0xd1: {  	[tilespmem:s16+$0x140A0] =	vst v9;
	v9 =	vadd.f32 v10, v2;
	v10 =	vld [tilespmem:s16+$0x4110]  }
0xd2: {  	[tilespmem:s16+$0x140B0] =	vst v8;
	v8 =	vadd.f32 v12, v1;
	v12 =	vld [tilespmem:s16+$0x4120]  }
0xd3: {  	[tilespmem:s16+$0x140C0] =	vst v9;
	v9 =	vadd.f32 v14, v0;
	v14 =	vld [tilespmem:s16+$0x4130]  }
0xd4: {  	[tilespmem:s16+$0x140D0] =	vst v8;
	v8 =	vadd.f32 v13, v7;
	v13 =	vld [tilespmem:s16+$0x4140]  }
0xd5: {  	[tilespmem:s16+$0x140E0] =	vst v9;
	v9 =	vadd.f32 v11, v6;
	v15 =	vld [tilespmem:s16+$0x4150]  }
0xd6: {  	[tilespmem:s16+$0x140F0] =	vst v8;
	v8 =	vadd.f32 v10, v5;
	v10 =	vld [tilespmem:s16+$0x4160]  }
0xd7: {  	[tilespmem:s16+$0x14100] =	vst v9;
	v9 =	vadd.f32 v12, v4;
	v12 =	vld [tilespmem:s16+$0x4170]  }
0xd8: {  	[tilespmem:s16+$0x14110] =	vst v8;
	v8 =	vadd.f32 v14, v3;
	v16 =	vld [tilespmem:s16+$0x4180]  }
.Ltmp1:
0xd9: {  	[tilespmem:s16+$0x14120] =	vst v9;
	v9 =	vadd.f32 v13, v2;
	v11 =	vld [tilespmem:s16+$0x4190];
	(pc) =	sbr.rel @p0 .LBB2_4-.Ltmp1, $4  }
0xda: {  	[tilespmem:s16+$0x14130] =	vst v8;
	v13 =	vadd.f32 v15, v1;
	v8 =	vld [tilespmem:s16+$0x41A0]  }
0xdb: {  	[tilespmem:s16+$0x14140] =	vst v9;
	v15 =	vadd.f32 v10, v0;
	v9 =	vld [tilespmem:s16+$0x41B0]  }
0xdc: {  	[tilespmem:s16+$0x14150] =	vst v13;
	v14 =	vadd.f32 v12, v7;
	v10 =	vld [tilespmem:s16+$0x41C0]  }
0xdd: {  	s18 =	sadd.s32 $0x800, s18;
	[tilespmem:s16+$0x14160] =	vst v15;
	v13 =	vadd.f32 v16, v6;
	v12 =	vld [tilespmem:s16+$0x41D0]  }
0xde: {  	[tilespmem:s16+$0x14170] =	vst v14;
	v5 =	vadd.f32 v11, v5;
	v6 =	vld [tilespmem:s16+$0x41E0]  }
0xdf: {  	[tilespmem:s16+$0x14180] =	vst v13;
	v4 =	vadd.f32 v8, v4  }
0xe0: {  	[tilespmem:s16+$0x14190] =	vst v5;
	v3 =	vadd.f32 v9, v3  }
0xe1: {  	[tilespmem:s16+$0x141A0] =	vst v4;
	v2 =	vadd.f32 v10, v2  }
0xe2: {  	[tilespmem:s16+$0x141B0] =	vst v3;
	v1 =	vadd.f32 v12, v1  }
0xe3: {  	[tilespmem:s16+$0x141C0] =	vst v2;
	v0 =	vadd.f32 v6, v0  }
0xe4: {  	[tilespmem:s16+$0x141D0] =	vst v1  }
0xe5: {  	p0 =	por $0x1, $0x1;
	[tilespmem:s16+$0x141E0] =	vst v0;
	s16 =	simm.s32 $0x1  }
0xe6: {  	[hbm4b:s8+s4] =	stream.linear.scatter [tilespmem:s12], [sflag:$0x2], $0x4000, $0x38;
	[tilespmem:$0x18000] =	vst v63  }
.LBB2_6:
0xe7: {  	s17 =	sshrl.u32 s16, $0x1  }
0xe8: {  	_ =	swait.ge [sflag:s13], $0x4000;
	s17 =	sadd.s32 s5, s17  }
0xe9: {  	[sflag:s13] =	ssyncset.done $0x0;
	s18 =	sshll.u32 s17, $0x7  }
0xea: {  	[sflag:s13] =	ssyncadd.s32 $0xFFFFC000;
	s20 =	sand.u32 $0x3FFFFF80, s18  }
0xeb: {  	s18 =	simm.s32 $0x1;
	v4 =	vld [tilespmem:s20+$0x0]  }
0xec: {  	v5 =	vld [tilespmem:s20+$0x10];
	s18 =	simm.s32 @!p0 $0x0  }
0xed: {  	v7 =	vld [tilespmem:s20+$0x20];
	s19 =	sshll.u32 s18, $0xF  }
0xee: {  	v6 =	vld [tilespmem:s20+$0x30];
	s24 =	sor.u32 $0x100, s19  }
0xef: {  	v8 =	vld [tilespmem:s24+$0x80]  }
0xf0: {  	v3 =	vld [tilespmem:s20+$0x40]  }
0xf1: {  	v2 =	vld [tilespmem:s20+$0x50]  }
0xf2: {  	v1 =	vld [tilespmem:s20+$0x60]  }
0xf3: {  	v9 =	vld [tilespmem:s24+$0xFFFFFF00]  }
0xf4: {  	v10 =	vld [tilespmem:s24+$0xFFFFFF80];
	v8 =	vadd.f32 v8, v4  }
0xf5: {  	s21 =	simm.s32 $0x10100;
	v11 =	vld [tilespmem:s24+$0x0]  }
0xf6: {  	v0 =	vld [tilespmem:s20+$0x70];
	[tilespmem:s21+$0x80] =	vst v8  }
0xf7: {  	v8 =	vld [tilespmem:s24+$0x90]  }
0xf8: {  	v9 =	vadd.f32 v9, v4  }
0xf9: {  	v10 =	vadd.f32 v10, v4  }
0xfa: {  	v11 =	vadd.f32 v11, v4;
	[tilespmem:s21+$0xFFFFFF00] =	vst v9  }
0xfb: {  	[tilespmem:s21+$0xFFFFFF80] =	vst v10;
	v9 =	vld [tilespmem:s24+$0xFFFFFF10]  }
0xfc: {  	[tilespmem:s21+$0x0] =	vst v11;
	v10 =	vld [tilespmem:s24+$0xFFFFFF90];
	v8 =	vadd.f32 v8, v5  }
0xfd: {  	v11 =	vld [tilespmem:s24+$0x10]  }
0xfe: {  	[tilespmem:s21+$0x90] =	vst v8  }
0xff: {  	v8 =	vld [tilespmem:s24+$0xA0]  }
0x100: {  	v9 =	vadd.f32 v9, v5  }
0x101: {  	v10 =	vadd.f32 v10, v5  }
0x102: {  	v11 =	vadd.f32 v11, v5;
	[tilespmem:s21+$0xFFFFFF10] =	vst v9  }
0x103: {  	[tilespmem:s21+$0xFFFFFF90] =	vst v10;
	v9 =	vld [tilespmem:s24+$0xFFFFFF20]  }
0x104: {  	[tilespmem:s21+$0x10] =	vst v11;
	v10 =	vld [tilespmem:s24+$0xFFFFFFA0];
	v8 =	vadd.f32 v8, v7  }
0x105: {  	v11 =	vld [tilespmem:s24+$0x20]  }
0x106: {  	[tilespmem:s21+$0xA0] =	vst v8  }
0x107: {  	v8 =	vld [tilespmem:s24+$0xB0]  }
0x108: {  	v9 =	vadd.f32 v9, v7  }
0x109: {  	v10 =	vadd.f32 v10, v7  }
0x10a: {  	v11 =	vadd.f32 v11, v7;
	[tilespmem:s21+$0xFFFFFF20] =	vst v9  }
0x10b: {  	[tilespmem:s21+$0xFFFFFFA0] =	vst v10;
	v9 =	vld [tilespmem:s24+$0xFFFFFF30]  }
0x10c: {  	[tilespmem:s21+$0x20] =	vst v11;
	v10 =	vld [tilespmem:s24+$0xFFFFFFB0];
	v8 =	vadd.f32 v8, v6  }
0x10d: {  	s22 =	sadd.s32 $0x200, s24;
	v11 =	vld [tilespmem:s24+$0x30]  }
0x10e: {  	[tilespmem:s21+$0xB0] =	vst v8;
	v8 =	vld [tilespmem:s22+$0x80]  }
0x10f: {  	v12 =	vld [tilespmem:s24+$0xC0]  }
0x110: {  	v13 =	vld [tilespmem:s22+$0xFFFFFF80];
	v9 =	vadd.f32 v9, v6  }
0x111: {  	v14 =	vld [tilespmem:s22+$0x0];
	v10 =	vadd.f32 v10, v6  }
0x112: {  	v11 =	vadd.f32 v11, v6;
	[tilespmem:s21+$0xFFFFFF30] =	vst v9;
	v9 =	vld [tilespmem:s22+$0xFFFFFF00]  }
0x113: {  	[tilespmem:s21+$0xFFFFFFB0] =	vst v10;
	v10 =	vld [tilespmem:s24+$0xFFFFFF40];
	v8 =	vadd.f32 v8, v4  }
0x114: {  	s23 =	simm.s32 $0x10300;
	[tilespmem:s21+$0x30] =	vst v11;
	v11 =	vld [tilespmem:s24+$0xFFFFFFC0];
	v12 =	vadd.f32 v12, v3  }
0x115: {  	v13 =	vadd.f32 v13, v4;
	[tilespmem:s23+$0x80] =	vst v8;
	v8 =	vld [tilespmem:s24+$0x40]  }
0x116: {  	v14 =	vadd.f32 v14, v4;
	v15 =	vld [tilespmem:s22+$0x90];
	[tilespmem:s21+$0xC0] =	vst v12  }
0x117: {  	[tilespmem:s23+$0xFFFFFF80] =	vst v13;
	v9 =	vadd.f32 v9, v4;
	v12 =	vld [tilespmem:s24+$0xD0]  }
0x118: {  	[tilespmem:s23+$0x0] =	vst v14;
	v13 =	vld [tilespmem:s22+$0xFFFFFF90];
	v10 =	vadd.f32 v10, v3  }
0x119: {  	v11 =	vadd.f32 v11, v3;
	[tilespmem:s23+$0xFFFFFF00] =	vst v9;
	v9 =	vld [tilespmem:s22+$0x10]  }
0x11a: {  	v14 =	vld [tilespmem:s22+$0xFFFFFF10];
	[tilespmem:s21+$0xFFFFFF40] =	vst v10;
	v8 =	vadd.f32 v8, v3  }
0x11b: {  	[tilespmem:s21+$0xFFFFFFC0] =	vst v11;
	v10 =	vadd.f32 v15, v5;
	v15 =	vld [tilespmem:s24+$0xFFFFFF50]  }
0x11c: {  	v11 =	vld [tilespmem:s24+$0xFFFFFFD0];
	[tilespmem:s21+$0x40] =	vst v8;
	v8 =	vadd.f32 v12, v2  }
0x11d: {  	v12 =	vadd.f32 v13, v5;
	[tilespmem:s23+$0x90] =	vst v10;
	v10 =	vld [tilespmem:s24+$0x50]  }
0x11e: {  	v9 =	vadd.f32 v9, v5;
	v13 =	vld [tilespmem:s22+$0xA0];
	[tilespmem:s21+$0xD0] =	vst v8  }
0x11f: {  	v8 =	vadd.f32 v14, v5;
	[tilespmem:s23+$0xFFFFFF90] =	vst v12;
	v12 =	vld [tilespmem:s24+$0xE0]  }
0x120: {  	[tilespmem:s23+$0x10] =	vst v9;
	v14 =	vld [tilespmem:s22+$0xFFFFFFA0];
	v9 =	vadd.f32 v15, v2  }
0x121: {  	v11 =	vadd.f32 v11, v2;
	[tilespmem:s23+$0xFFFFFF10] =	vst v8;
	v8 =	vld [tilespmem:s22+$0x20]  }
0x122: {  	v15 =	vld [tilespmem:s22+$0xFFFFFF20];
	[tilespmem:s21+$0xFFFFFF50] =	vst v9;
	v9 =	vadd.f32 v10, v2  }
0x123: {  	[tilespmem:s21+$0xFFFFFFD0] =	vst v11;
	v10 =	vadd.f32 v13, v7;
	v13 =	vld [tilespmem:s24+$0xFFFFFF60]  }
0x124: {  	v11 =	vld [tilespmem:s24+$0xFFFFFFE0];
	[tilespmem:s21+$0x50] =	vst v9;
	v9 =	vadd.f32 v12, v1  }
0x125: {  	v12 =	vadd.f32 v14, v7;
	[tilespmem:s23+$0xA0] =	vst v10;
	v10 =	vld [tilespmem:s24+$0x60]  }
0x126: {  	v8 =	vadd.f32 v8, v7;
	v14 =	vld [tilespmem:s22+$0xB0];
	[tilespmem:s21+$0xE0] =	vst v9  }
0x127: {  	v9 =	vadd.f32 v15, v7;
	[tilespmem:s23+$0xFFFFFFA0] =	vst v12;
	v15 =	vld [tilespmem:s24+$0xF0]  }
0x128: {  	v16 =	vld [tilespmem:s22+$0xFFFFFFB0];
	[tilespmem:s23+$0x20] =	vst v8;
	v8 =	vadd.f32 v13, v1  }
0x129: {  	v11 =	vadd.f32 v11, v1;
	[tilespmem:s23+$0xFFFFFF20] =	vst v9;
	v12 =	vld [tilespmem:s22+$0x30]  }
0x12a: {  	v13 =	vld [tilespmem:s22+$0xFFFFFF30];
	[tilespmem:s21+$0xFFFFFF60] =	vst v8;
	v10 =	vadd.f32 v10, v1  }
0x12b: {  	[tilespmem:s21+$0xFFFFFFE0] =	vst v11;
	v17 =	vadd.f32 v14, v6;
	v9 =	vld [tilespmem:s24+$0xFFFFFF70]  }
0x12c: {  	s31 =	sshll.u32 s16, $0x8;
	v8 =	vld [tilespmem:s24+$0xFFFFFFF0];
	[tilespmem:s21+$0x60] =	vst v10;
	v11 =	vadd.f32 v15, v0  }
0x12d: {  	s25 =	simm.s32 $0x4;
	s18 =	sand.u32 $0x100, s31;
	s26 =	sadd.s32 $0x200, s22;
	v14 =	vadd.f32 v16, v6;
	[tilespmem:s23+$0xB0] =	vst v17;
	v10 =	vld [tilespmem:s24+$0x70]  }
.LBB2_7:
0x12e: {  	v15 =	vld [tilespmem:s26+$0x80];
	v12 =	vadd.f32 v12, v6;
	[tilespmem:s21+$0xF0] =	vst v11  }
0x12f: {  	s25 =	sadd.s32 $0x4, s25;
	v11 =	vadd.f32 v13, v6;
	[tilespmem:s23+$0xFFFFFFB0] =	vst v14;
	v13 =	vld [tilespmem:s22+$0xC0]  }
0x130: {  	p1 =	slt.u32 s25, $0x7C;
	v14 =	vld [tilespmem:s26+$0xFFFFFF80];
	[tilespmem:s23+$0x30] =	vst v12;
	v9 =	vadd.f32 v9, v0  }
0x131: {  	v12 =	vld [tilespmem:s26+$0x0];
	[tilespmem:s23+$0xFFFFFF30] =	vst v11;
	v8 =	vadd.f32 v8, v0  }
0x132: {  	v11 =	vld [tilespmem:s26+$0xFFFFFF00];
	[tilespmem:s21+$0xFFFFFF70] =	vst v9;
	v9 =	vadd.f32 v10, v0  }
0x133: {  	v10 =	vadd.f32 v15, v4;
	v15 =	vld [tilespmem:s22+$0xFFFFFF40];
	[tilespmem:s21+$0xFFFFFFF0] =	vst v8  }
0x134: {  	v8 =	vld [tilespmem:s22+$0xFFFFFFC0];
	v13 =	vadd.f32 v13, v3;
	[tilespmem:s21+$0x70] =	vst v9;
	s21 =	smov.u32 s23;
	s23 =	sadd.s32 $0x200, s23  }
0x135: {  	v9 =	vadd.f32 v14, v4;
	[tilespmem:s23+$0x80] =	vst v10;
	v10 =	vld [tilespmem:s22+$0x40]  }
0x136: {  	v12 =	vadd.f32 v12, v4;
	v14 =	vld [tilespmem:s26+$0x90];
	[tilespmem:s21+$0xC0] =	vst v13  }
0x137: {  	v11 =	vadd.f32 v11, v4;
	[tilespmem:s23+$0xFFFFFF80] =	vst v9;
	v9 =	vld [tilespmem:s22+$0xD0]  }
0x138: {  	v13 =	vld [tilespmem:s26+$0xFFFFFF90];
	[tilespmem:s23+$0x0] =	vst v12;
	v12 =	vadd.f32 v15, v3  }
0x139: {  	[tilespmem:s23+$0xFFFFFF00] =	vst v11;
	v11 =	vld [tilespmem:s26+$0x10];
	v8 =	vadd.f32 v8, v3  }
0x13a: {  	v15 =	vld [tilespmem:s26+$0xFFFFFF10];
	[tilespmem:s21+$0xFFFFFF40] =	vst v12;
	v10 =	vadd.f32 v10, v3  }
0x13b: {  	v12 =	vadd.f32 v14, v5;
	v14 =	vld [tilespmem:s22+$0xFFFFFF50];
	[tilespmem:s21+$0xFFFFFFC0] =	vst v8  }
0x13c: {  	v8 =	vld [tilespmem:s22+$0xFFFFFFD0];
	[tilespmem:s21+$0x40] =	vst v10;
	v9 =	vadd.f32 v9, v2  }
0x13d: {  	v10 =	vadd.f32 v13, v5;
	[tilespmem:s23+$0x90] =	vst v12;
	v12 =	vld [tilespmem:s22+$0x50]  }
0x13e: {  	v11 =	vadd.f32 v11, v5;
	v13 =	vld [tilespmem:s26+$0xA0];
	[tilespmem:s21+$0xD0] =	vst v9  }
0x13f: {  	v9 =	vadd.f32 v15, v5;
	[tilespmem:s23+$0xFFFFFF90] =	vst v10;
	v10 =	vld [tilespmem:s22+$0xE0]  }
0x140: {  	v15 =	vld [tilespmem:s26+$0xFFFFFFA0];
	[tilespmem:s23+$0x10] =	vst v11;
	v11 =	vadd.f32 v14, v2  }
0x141: {  	[tilespmem:s23+$0xFFFFFF10] =	vst v9;
	v9 =	vld [tilespmem:s26+$0x20];
	v8 =	vadd.f32 v8, v2  }
0x142: {  	v14 =	vld [tilespmem:s26+$0xFFFFFF20];
	[tilespmem:s21+$0xFFFFFF50] =	vst v11;
	v11 =	vadd.f32 v12, v2  }
0x143: {  	v12 =	vadd.f32 v13, v7;
	v13 =	vld [tilespmem:s22+$0xFFFFFF60];
	[tilespmem:s21+$0xFFFFFFD0] =	vst v8  }
0x144: {  	v8 =	vld [tilespmem:s22+$0xFFFFFFE0];
	[tilespmem:s21+$0x50] =	vst v11;
	v10 =	vadd.f32 v10, v1  }
0x145: {  	v11 =	vadd.f32 v15, v7;
	[tilespmem:s23+$0xA0] =	vst v12;
	v15 =	vld [tilespmem:s22+$0x60]  }
0x146: {  	v9 =	vadd.f32 v9, v7;
	v16 =	vld [tilespmem:s26+$0xB0];
	[tilespmem:s21+$0xE0] =	vst v10  }
0x147: {  	v10 =	vadd.f32 v14, v7;
	[tilespmem:s23+$0xFFFFFFA0] =	vst v11;
	v11 =	vld [tilespmem:s22+$0xF0]  }
0x148: {  	v14 =	vld [tilespmem:s26+$0xFFFFFFB0];
	[tilespmem:s23+$0x20] =	vst v9;
	v9 =	vadd.f32 v13, v1  }
.Ltmp2:
0x149: {  	[tilespmem:s23+$0xFFFFFF20] =	vst v10;
	v12 =	vld [tilespmem:s26+$0x30];
	v8 =	vadd.f32 v8, v1;
	(pc) =	sbr.rel @p1 .LBB2_7-.Ltmp2, $4  }
0x14a: {  	v13 =	vld [tilespmem:s26+$0xFFFFFF30];
	[tilespmem:s21+$0xFFFFFF60] =	vst v9;
	v10 =	vadd.f32 v15, v1  }
0x14b: {  	v15 =	vadd.f32 v16, v6;
	v9 =	vld [tilespmem:s22+$0xFFFFFF70];
	[tilespmem:s21+$0xFFFFFFE0] =	vst v8  }
0x14c: {  	v8 =	vld [tilespmem:s22+$0xFFFFFFF0];
	[tilespmem:s21+$0x60] =	vst v10;
	v11 =	vadd.f32 v11, v0  }
0x14d: {  	v14 =	vadd.f32 v14, v6;
	[tilespmem:s23+$0xB0] =	vst v15;
	v10 =	vld [tilespmem:s22+$0x70];
	s22 =	smov.u32 s26;
	s26 =	sadd.s32 $0x200, s26  }
0x14e: {  	v5 =	vadd.f32 v12, v6  }
0x14f: {  	v4 =	vadd.f32 v13, v6;
	v6 =	vld [tilespmem:s22+$0xC0];
	[tilespmem:s23+$0xFFFFFFB0] =	vst v14  }
0x150: {  	[tilespmem:s23+$0x30] =	vst v5  }
0x151: {  	v5 =	vld [tilespmem:s22+$0xFFFFFFC0];
	[tilespmem:s23+$0xFFFFFF30] =	vst v4  }
0x152: {  	v4 =	vld [tilespmem:s22+$0xFFFFFF40]  }
0x153: {  	v7 =	vld [tilespmem:s22+$0x40]  }
0x154: {  	v6 =	vadd.f32 v6, v3;
	_ =	sdelay $0x1  }
0x155: {  	v5 =	vadd.f32 v5, v3;
	[tilespmem:s23+$0xC0] =	vst v6  }
0x156: {  	v4 =	vadd.f32 v4, v3;
	v6 =	vld [tilespmem:s22+$0xD0]  }
0x157: {  	v3 =	vadd.f32 v7, v3;
	[tilespmem:s23+$0xFFFFFFC0] =	vst v5  }
0x158: {  	v5 =	vld [tilespmem:s22+$0xFFFFFFD0];
	[tilespmem:s23+$0xFFFFFF40] =	vst v4  }
0x159: {  	[tilespmem:s23+$0x40] =	vst v3;
	v4 =	vld [tilespmem:s22+$0xFFFFFF50]  }
0x15a: {  	v3 =	vld [tilespmem:s22+$0x50]  }
0x15b: {  	v6 =	vadd.f32 v6, v2;
	_ =	sdelay $0x1  }
0x15c: {  	v5 =	vadd.f32 v5, v2;
	[tilespmem:s23+$0xD0] =	vst v6  }
0x15d: {  	v4 =	vadd.f32 v4, v2;
	v6 =	vld [tilespmem:s22+$0xE0]  }
0x15e: {  	v2 =	vadd.f32 v3, v2;
	[tilespmem:s23+$0xFFFFFFD0] =	vst v5  }
0x15f: {  	[tilespmem:s23+$0xFFFFFF50] =	vst v4;
	v4 =	vld [tilespmem:s22+$0xFFFFFFE0]  }
0x160: {  	[tilespmem:s23+$0x50] =	vst v2;
	v3 =	vld [tilespmem:s22+$0xFFFFFF60]  }
0x161: {  	v2 =	vld [tilespmem:s22+$0x60]  }
0x162: {  	v5 =	vadd.f32 v6, v1;
	_ =	sdelay $0x1  }
0x163: {  	[tilespmem:s23+$0xE0] =	vst v5;
	v4 =	vadd.f32 v4, v1  }
0x164: {  	v3 =	vadd.f32 v3, v1;
	v5 =	vld [tilespmem:s22+$0xF0]  }
0x165: {  	v1 =	vadd.f32 v2, v1;
	[tilespmem:s23+$0xFFFFFFE0] =	vst v4  }
0x166: {  	[tilespmem:s23+$0xFFFFFF60] =	vst v3;
	v4 =	vld [tilespmem:s22+$0xFFFFFFF0]  }
0x167: {  	[tilespmem:s23+$0x60] =	vst v1;
	v1 =	vadd.f32 v8, v0;
	v2 =	vld [tilespmem:s22+$0xFFFFFF70]  }
0x168: {  	[tilespmem:s21+$0xF0] =	vst v11;
	v3 =	vadd.f32 v9, v0;
	v6 =	vld [tilespmem:s22+$0x70]  }
0x169: {  	[tilespmem:s21+$0xFFFFFFF0] =	vst v1;
	v1 =	vadd.f32 v5, v0  }
0x16a: {  	[tilespmem:s21+$0xFFFFFF70] =	vst v3;
	v3 =	vadd.f32 v10, v0  }
0x16b: {  	[tilespmem:s23+$0xF0] =	vst v1;
	v1 =	vadd.f32 v4, v0  }
0x16c: {  	[tilespmem:s21+$0x70] =	vst v3;
	v2 =	vadd.f32 v2, v0  }
0x16d: {  	s30 =	sshll.u32 s18, $0x4;
	v0 =	vadd.f32 v6, v0;
	[tilespmem:s23+$0xFFFFFFF0] =	vst v1  }
0x16e: {  	s17 =	sshll.u32 s17, $0xD;
	s21 =	sadd.s32 s3, s30;
	[tilespmem:s23+$0xFFFFFF70] =	vst v2  }
0x16f: {  	s31 =	simm.s32 $0x0;
	s21 =	sadd.s32 s17, s21;
	[tilespmem:s23+$0x70] =	vst v0  }
0x170: {  	[hbm4b:s21+s31] =	stream.linear.scatter [tilespmem:s11], [sflag:$0x1], $0x4000, $0x38;
	[tilespmem:$0x18000] =	vst v63  }
0x171: {  	_ =	swait.ge [sflag:s14], $0x4000  }
0x172: {  	[sflag:s14] =	ssyncset.done $0x0  }
0x173: {  	[sflag:s14] =	ssyncadd.s32 $0xFFFFC000  }
0x174: {  	v0 =	vmov s19;
	v6 =	vld [tilespmem:s20+$0x0]  }
0x175: {  	v7 =	vld [tilespmem:s20+$0x10]  }
0x176: {  	v8 =	vld [tilespmem:s20+$0x20]  }
0x177: {  	v5 =	vld [tilespmem:s20+$0x30]  }
0x178: {  	s19 =	simm.s32 $0x0;
	v4 =	vld [tilespmem:s20+$0x40]  }
0x179: {  	v1 =	vld.idx.msk [tilespmem:v0+s19+$0x4180 ss:$0x1], $0xffff  }
0x17a: {  	v9 =	vld.idx.msk [tilespmem:v0+s19+$0x4000 ss:$0x1], $0xffff  }
0x17b: {  	v10 =	vld.idx.msk [tilespmem:v0+s19+$0x4080 ss:$0x1], $0xffff  }
0x17c: {  	v11 =	vld.idx.msk [tilespmem:v0+s19+$0x4100 ss:$0x1], $0xffff  }
0x17d: {  	v3 =	vld [tilespmem:s20+$0x50]  }
0x17e: {  	v2 =	vld [tilespmem:s20+$0x60];
	v12 =	vadd.f32 v1, v6  }
0x17f: {  	v1 =	vld [tilespmem:s20+$0x70];
	v9 =	vadd.f32 v9, v6;
	s20 =	simm.s32 $0x200  }
0x180: {  	v10 =	vadd.f32 v10, v6;
	v15 =	vld.idx.msk [tilespmem:v0+s20+$0x4080 ss:$0x1], $0xffff;
	[tilespmem:s19+$0x14180] =	vst v12  }
0x181: {  	[tilespmem:s19+$0x14000] =	vst v9;
	v9 =	vadd.f32 v11, v6;
	v11 =	vld.idx.msk [tilespmem:v0+s19+$0x4190 ss:$0x1], $0xffff  }
0x182: {  	[tilespmem:s19+$0x14080] =	vst v10;
	v12 =	vld.idx.msk [tilespmem:v0+s19+$0x4010 ss:$0x1], $0xffff  }
0x183: {  	v10 =	vld.idx.msk [tilespmem:v0+s19+$0x4090 ss:$0x1], $0xffff;
	[tilespmem:s19+$0x14100] =	vst v9  }
0x184: {  	v9 =	vld.idx.msk [tilespmem:v0+s19+$0x4110 ss:$0x1], $0xffff  }
0x185: {  	v15 =	vadd.f32 v15, v6  }
0x186: {  	v11 =	vadd.f32 v11, v7  }
0x187: {  	v12 =	vadd.f32 v12, v7;
	[tilespmem:s20+$0x14080] =	vst v15  }
0x188: {  	v10 =	vadd.f32 v10, v7;
	v15 =	vld.idx.msk [tilespmem:v0+s20+$0x4090 ss:$0x1], $0xffff;
	[tilespmem:s19+$0x14190] =	vst v11  }
0x189: {  	[tilespmem:s19+$0x14010] =	vst v12;
	v9 =	vadd.f32 v9, v7;
	v11 =	vld.idx.msk [tilespmem:v0+s19+$0x41A0 ss:$0x1], $0xffff  }
0x18a: {  	[tilespmem:s19+$0x14090] =	vst v10;
	v12 =	vld.idx.msk [tilespmem:v0+s19+$0x4020 ss:$0x1], $0xffff  }
0x18b: {  	v10 =	vld.idx.msk [tilespmem:v0+s19+$0x40A0 ss:$0x1], $0xffff;
	[tilespmem:s19+$0x14110] =	vst v9  }
0x18c: {  	v9 =	vld.idx.msk [tilespmem:v0+s19+$0x4120 ss:$0x1], $0xffff  }
0x18d: {  	v15 =	vadd.f32 v15, v7  }
0x18e: {  	v11 =	vadd.f32 v11, v8  }
0x18f: {  	v12 =	vadd.f32 v12, v8;
	[tilespmem:s20+$0x14090] =	vst v15  }
0x190: {  	v10 =	vadd.f32 v10, v8;
	v15 =	vld.idx.msk [tilespmem:v0+s20+$0x40A0 ss:$0x1], $0xffff;
	[tilespmem:s19+$0x141A0] =	vst v11  }
0x191: {  	[tilespmem:s19+$0x14020] =	vst v12;
	v9 =	vadd.f32 v9, v8;
	v11 =	vld.idx.msk [tilespmem:v0+s19+$0x41B0 ss:$0x1], $0xffff  }
0x192: {  	[tilespmem:s19+$0x140A0] =	vst v10;
	v12 =	vld.idx.msk [tilespmem:v0+s19+$0x4030 ss:$0x1], $0xffff  }
0x193: {  	v10 =	vld.idx.msk [tilespmem:v0+s19+$0x40B0 ss:$0x1], $0xffff;
	[tilespmem:s19+$0x14120] =	vst v9  }
0x194: {  	v9 =	vld.idx.msk [tilespmem:v0+s19+$0x4130 ss:$0x1], $0xffff  }
0x195: {  	v13 =	vld.idx.msk [tilespmem:v0+s20+$0x4180 ss:$0x1], $0xffff;
	v15 =	vadd.f32 v15, v8  }
0x196: {  	v14 =	vld.idx.msk [tilespmem:v0+s20+$0x4000 ss:$0x1], $0xffff;
	v11 =	vadd.f32 v11, v5  }
0x197: {  	v12 =	vadd.f32 v12, v5;
	[tilespmem:s20+$0x140A0] =	vst v15  }
0x198: {  	v16 =	vld.idx.msk [tilespmem:v0+s20+$0x4100 ss:$0x1], $0xffff;
	v10 =	vadd.f32 v10, v5;
	[tilespmem:s19+$0x141B0] =	vst v11  }
0x199: {  	v15 =	vld.idx.msk [tilespmem:v0+s20+$0x40B0 ss:$0x1], $0xffff;
	[tilespmem:s19+$0x14030] =	vst v12;
	v9 =	vadd.f32 v9, v5  }
0x19a: {  	[tilespmem:s19+$0x140B0] =	vst v10;
	v10 =	vadd.f32 v13, v6;
	v11 =	vld.idx.msk [tilespmem:v0+s19+$0x41C0 ss:$0x1], $0xffff  }
0x19b: {  	v12 =	vld.idx.msk [tilespmem:v0+s19+$0x4040 ss:$0x1], $0xffff;
	[tilespmem:s19+$0x14130] =	vst v9;
	v9 =	vadd.f32 v14, v6  }
0x19c: {  	v13 =	vld.idx.msk [tilespmem:v0+s19+$0x40C0 ss:$0x1], $0xffff;
	[tilespmem:s20+$0x14180] =	vst v10  }
0x19d: {  	v14 =	vld.idx.msk [tilespmem:v0+s19+$0x4140 ss:$0x1], $0xffff;
	[tilespmem:s20+$0x14000] =	vst v9;
	v9 =	vadd.f32 v16, v6  }
0x19e: {  	v10 =	vld.idx.msk [tilespmem:v0+s20+$0x4190 ss:$0x1], $0xffff;
	v15 =	vadd.f32 v15, v5  }
0x19f: {  	v16 =	vld.idx.msk [tilespmem:v0+s20+$0x4010 ss:$0x1], $0xffff;
	v11 =	vadd.f32 v11, v4;
	[tilespmem:s20+$0x14100] =	vst v9  }
0x1a0: {  	v9 =	vadd.f32 v12, v4;
	[tilespmem:s20+$0x140B0] =	vst v15  }
0x1a1: {  	v13 =	vadd.f32 v13, v4;
	v12 =	vld.idx.msk [tilespmem:v0+s20+$0x4110 ss:$0x1], $0xffff;
	[tilespmem:s19+$0x141C0] =	vst v11  }
0x1a2: {  	v15 =	vld.idx.msk [tilespmem:v0+s20+$0x40C0 ss:$0x1], $0xffff;
	[tilespmem:s19+$0x14040] =	vst v9;
	v9 =	vadd.f32 v14, v4  }
0x1a3: {  	[tilespmem:s19+$0x140C0] =	vst v13;
	v10 =	vadd.f32 v10, v7;
	v11 =	vld.idx.msk [tilespmem:v0+s19+$0x41D0 ss:$0x1], $0xffff  }
0x1a4: {  	v14 =	vld.idx.msk [tilespmem:v0+s19+$0x4050 ss:$0x1], $0xffff;
	[tilespmem:s19+$0x14140] =	vst v9;
	v9 =	vadd.f32 v16, v7  }
0x1a5: {  	v13 =	vld.idx.msk [tilespmem:v0+s19+$0x40D0 ss:$0x1], $0xffff;
	[tilespmem:s20+$0x14190] =	vst v10  }
0x1a6: {  	v16 =	vld.idx.msk [tilespmem:v0+s19+$0x4150 ss:$0x1], $0xffff;
	[tilespmem:s20+$0x14010] =	vst v9;
	v9 =	vadd.f32 v12, v7  }
0x1a7: {  	v10 =	vld.idx.msk [tilespmem:v0+s20+$0x41A0 ss:$0x1], $0xffff;
	v15 =	vadd.f32 v15, v4  }
0x1a8: {  	v12 =	vld.idx.msk [tilespmem:v0+s20+$0x4020 ss:$0x1], $0xffff;
	v11 =	vadd.f32 v11, v3;
	[tilespmem:s20+$0x14110] =	vst v9  }
0x1a9: {  	v9 =	vadd.f32 v14, v3;
	[tilespmem:s20+$0x140C0] =	vst v15;
	v14 =	vld.idx.msk [tilespmem:v0+s20+$0x4120 ss:$0x1], $0xffff  }
0x1aa: {  	v13 =	vadd.f32 v13, v3;
	v15 =	vld.idx.msk [tilespmem:v0+s20+$0x40D0 ss:$0x1], $0xffff;
	[tilespmem:s19+$0x141D0] =	vst v11  }
0x1ab: {  	[tilespmem:s19+$0x14050] =	vst v9;
	v9 =	vadd.f32 v16, v3;
	v11 =	vld.idx.msk [tilespmem:v0+s19+$0x41E0 ss:$0x1], $0xffff  }
0x1ac: {  	[tilespmem:s19+$0x140D0] =	vst v13;
	v10 =	vadd.f32 v10, v8;
	v16 =	vld.idx.msk [tilespmem:v0+s19+$0x4060 ss:$0x1], $0xffff  }
0x1ad: {  	v13 =	vld.idx.msk [tilespmem:v0+s19+$0x40E0 ss:$0x1], $0xffff;
	[tilespmem:s19+$0x14150] =	vst v9;
	v9 =	vadd.f32 v12, v8  }
0x1ae: {  	s21 =	simm.s32 $0x400;
	[tilespmem:s20+$0x141A0] =	vst v10;
	v12 =	vld.idx.msk [tilespmem:v0+s19+$0x4160 ss:$0x1], $0xffff  }
0x1af: {  	v17 =	vld.idx.msk [tilespmem:v0+s21+$0x4100 ss:$0x1], $0xffff;
	[tilespmem:s20+$0x14020] =	vst v9;
	v9 =	vadd.f32 v14, v8  }
0x1b0: {  	v10 =	vld.idx.msk [tilespmem:v0+s20+$0x41B0 ss:$0x1], $0xffff;
	v11 =	vadd.f32 v11, v2  }
0x1b1: {  	v14 =	vld.idx.msk [tilespmem:v0+s20+$0x4030 ss:$0x1], $0xffff;
	[tilespmem:s20+$0x14120] =	vst v9;
	v9 =	vadd.f32 v16, v2  }
0x1b2: {  	v15 =	vadd.f32 v15, v3;
	v16 =	vld.idx.msk [tilespmem:v0+s20+$0x4130 ss:$0x1], $0xffff;
	[tilespmem:s19+$0x141E0] =	vst v11  }
0x1b3: {  	v11 =	vadd.f32 v13, v2;
	[tilespmem:s19+$0x14060] =	vst v9;
	v9 =	vadd.f32 v12, v2;
	v12 =	vld.idx.msk [tilespmem:v0+s21+$0x4180 ss:$0x1], $0xffff  }
0x1b4: {  	[tilespmem:s20+$0x140D0] =	vst v15;
	v13 =	vld.idx.msk [tilespmem:v0+s19+$0x41F0 ss:$0x1], $0xffff  }
0x1b5: {  	v10 =	vadd.f32 v10, v5;
	[tilespmem:s19+$0x140E0] =	vst v11;
	v11 =	vld.idx.msk [tilespmem:v0+s21+$0x4000 ss:$0x1], $0xffff  }
0x1b6: {  	[tilespmem:s19+$0x14160] =	vst v9;
	v9 =	vld.idx.msk [tilespmem:v0+s21+$0x4080 ss:$0x1], $0xffff;
	v14 =	vadd.f32 v14, v5  }
0x1b7: {  	v19 =	vld.idx.msk [tilespmem:v0+s20+$0x40E0 ss:$0x1], $0xffff;
	[tilespmem:s20+$0x141B0] =	vst v10;
	v10 =	vadd.f32 v16, v5  }
0x1b8: {  	[tilespmem:s20+$0x14030] =	vst v14;
	v14 =	vld.idx.msk [tilespmem:v0+s20+$0x41C0 ss:$0x1], $0xffff;
	v12 =	vadd.f32 v12, v6  }
0x1b9: {  	v16 =	vld.idx.msk [tilespmem:v0+s20+$0x4040 ss:$0x1], $0xffff;
	v13 =	vadd.f32 v13, v1;
	[tilespmem:s20+$0x14130] =	vst v10  }
0x1ba: {  	v10 =	vadd.f32 v11, v6;
	v11 =	vld.idx.msk [tilespmem:v0+s20+$0x4140 ss:$0x1], $0xffff;
	[tilespmem:s21+$0x14180] =	vst v12  }
0x1bb: {  	v9 =	vadd.f32 v9, v6;
	[tilespmem:s19+$0x141F0] =	vst v13;
	v13 =	vld.idx.msk [tilespmem:v0+s21+$0x4190 ss:$0x1], $0xffff  }
0x1bc: {  	v12 =	vld.idx.msk [tilespmem:v0+s19+$0x4070 ss:$0x1], $0xffff;
	[tilespmem:s21+$0x14000] =	vst v10;
	v10 =	vadd.f32 v17, v6  }
0x1bd: {  	[tilespmem:s21+$0x14080] =	vst v9;
	v9 =	vadd.f32 v14, v4;
	v17 =	vld.idx.msk [tilespmem:v0+s21+$0x4010 ss:$0x1], $0xffff  }
0x1be: {  	v14 =	vld.idx.msk [tilespmem:v0+s21+$0x4090 ss:$0x1], $0xffff;
	[tilespmem:s21+$0x14100] =	vst v10;
	v10 =	vadd.f32 v16, v4  }
0x1bf: {  	[tilespmem:s20+$0x141C0] =	vst v9;
	v16 =	vld.idx.msk [tilespmem:v0+s21+$0x4110 ss:$0x1], $0xffff;
	v9 =	vadd.f32 v11, v4  }
0x1c0: {  	[tilespmem:s20+$0x14040] =	vst v10;
	v10 =	vld.idx.msk [tilespmem:v0+s20+$0x41D0 ss:$0x1], $0xffff;
	v13 =	vadd.f32 v13, v7  }
0x1c1: {  	v12 =	vadd.f32 v12, v1;
	v11 =	vld.idx.msk [tilespmem:v0+s20+$0x4050 ss:$0x1], $0xffff;
	[tilespmem:s20+$0x14140] =	vst v9  }
0x1c2: {  	v9 =	vadd.f32 v17, v7;
	[tilespmem:s21+$0x14190] =	vst v13;
	v13 =	vld.idx.msk [tilespmem:v0+s19+$0x40F0 ss:$0x1], $0xffff  }
0x1c3: {  	[tilespmem:s19+$0x14070] =	vst v12;
	v17 =	vld.idx.msk [tilespmem:v0+s20+$0x4150 ss:$0x1], $0xffff;
	v12 =	vadd.f32 v14, v7  }
0x1c4: {  	v14 =	vld.idx.msk [tilespmem:v0+s21+$0x41A0 ss:$0x1], $0xffff;
	[tilespmem:s21+$0x14010] =	vst v9;
	v9 =	vadd.f32 v16, v7  }
0x1c5: {  	[tilespmem:s21+$0x14090] =	vst v12;
	v16 =	vld.idx.msk [tilespmem:v0+s21+$0x4020 ss:$0x1], $0xffff;
	v10 =	vadd.f32 v10, v3  }
0x1c6: {  	v12 =	vld.idx.msk [tilespmem:v0+s21+$0x40A0 ss:$0x1], $0xffff;
	[tilespmem:s21+$0x14110] =	vst v9;
	v9 =	vadd.f32 v11, v3  }
0x1c7: {  	v11 =	vld.idx.msk [tilespmem:v0+s21+$0x4120 ss:$0x1], $0xffff;
	[tilespmem:s20+$0x141D0] =	vst v10;
	v13 =	vadd.f32 v13, v1  }
0x1c8: {  	[tilespmem:s20+$0x14050] =	vst v9;
	v9 =	vadd.f32 v17, v3;
	v17 =	vld.idx.msk [tilespmem:v0+s20+$0x41E0 ss:$0x1], $0xffff  }
0x1c9: {  	v14 =	vadd.f32 v14, v8;
	v18 =	vld.idx.msk [tilespmem:v0+s20+$0x4060 ss:$0x1], $0xffff;
	[tilespmem:s19+$0x140F0] =	vst v13  }
0x1ca: {  	[tilespmem:s20+$0x14150] =	vst v9;
	v15 =	vadd.f32 v16, v8;
	v9 =	vld.idx.msk [tilespmem:v0+s19+$0x4170 ss:$0x1], $0xffff  }
0x1cb: {  	v12 =	vadd.f32 v12, v8;
	[tilespmem:s21+$0x141A0] =	vst v14;
	v10 =	vld.idx.msk [tilespmem:v0+s20+$0x4160 ss:$0x1], $0xffff  }
0x1cc: {  	v16 =	vld.idx.msk [tilespmem:v0+s21+$0x41B0 ss:$0x1], $0xffff;
	[tilespmem:s21+$0x14020] =	vst v15;
	v11 =	vadd.f32 v11, v8  }
0x1cd: {  	[tilespmem:s21+$0x140A0] =	vst v12;
	v14 =	vld.idx.msk [tilespmem:v0+s21+$0x4030 ss:$0x1], $0xffff;
	v17 =	vadd.f32 v17, v2  }
0x1ce: {  	v13 =	vld.idx.msk [tilespmem:v0+s21+$0x40B0 ss:$0x1], $0xffff;
	[tilespmem:s21+$0x14120] =	vst v11;
	v12 =	vadd.f32 v18, v2  }
0x1cf: {  	s18 =	sor.u32 $0x80, s18;
	s22 =	simm.s32 $0x8;
	s23 =	simm.s32 $0x1800;
	v11 =	vadd.f32 v19, v2;
	v15 =	vld.idx.msk [tilespmem:v0+s21+$0x4130 ss:$0x1], $0xffff;
	[tilespmem:s20+$0x141E0] =	vst v17  }
.LBB2_9:
0x1d0: {  	s24 =	sshra.s32 s23, $0x2;
	s22 =	sadd.s32 $0x4, s22;
	[tilespmem:s20+$0x14060] =	vst v12;
	v10 =	vadd.f32 v10, v2;
	v12 =	vld.idx.msk [tilespmem:v0+s20+$0x41F0 ss:$0x1], $0xffff  }
0x1d1: {  	v9 =	vadd.f32 v9, v1;
	v17 =	vld.idx.msk [tilespmem:v0+s24+$0x4180 ss:$0x1], $0xffff;
	p1 =	slt.u32 s22, $0x7C;
	[tilespmem:s20+$0x140E0] =	vst v11  }
0x1d2: {  	v16 =	vadd.f32 v16, v5;
	v11 =	vld.idx.msk [tilespmem:v0+s24+$0x4000 ss:$0x1], $0xffff;
	[tilespmem:s20+$0x14160] =	vst v10  }
0x1d3: {  	v14 =	vadd.f32 v14, v5;
	v10 =	vld.idx.msk [tilespmem:v0+s24+$0x4080 ss:$0x1], $0xffff;
	[tilespmem:s19+$0x14170] =	vst v9;
	s19 =	smov.u32 s20;
	s20 =	smov.u32 s21;
	s21 =	smov.u32 s24  }
0x1d4: {  	v13 =	vadd.f32 v13, v5;
	v9 =	vld.idx.msk [tilespmem:v0+s21+$0x4100 ss:$0x1], $0xffff;
	[tilespmem:s20+$0x141B0] =	vst v16  }
0x1d5: {  	[tilespmem:s20+$0x14030] =	vst v14;
	v14 =	vadd.f32 v15, v5;
	v15 =	vld.idx.msk [tilespmem:v0+s20+$0x41C0 ss:$0x1], $0xffff  }
0x1d6: {  	v12 =	vadd.f32 v12, v1;
	v16 =	vld.idx.msk [tilespmem:v0+s20+$0x4040 ss:$0x1], $0xffff;
	[tilespmem:s20+$0x140B0] =	vst v13  }
0x1d7: {  	v13 =	vadd.f32 v17, v6;
	v17 =	vld.idx.msk [tilespmem:v0+s20+$0x40C0 ss:$0x1], $0xffff;
	[tilespmem:s20+$0x14130] =	vst v14  }
0x1d8: {  	v11 =	vadd.f32 v11, v6;
	v14 =	vld.idx.msk [tilespmem:v0+s20+$0x4140 ss:$0x1], $0xffff;
	[tilespmem:s19+$0x141F0] =	vst v12  }
0x1d9: {  	v10 =	vadd.f32 v10, v6;
	[tilespmem:s21+$0x14180] =	vst v13;
	v12 =	vld.idx.msk [tilespmem:v0+s19+$0x4070 ss:$0x1], $0xffff  }
0x1da: {  	v9 =	vadd.f32 v9, v6;
	[tilespmem:s21+$0x14000] =	vst v11;
	v11 =	vld.idx.msk [tilespmem:v0+s21+$0x4190 ss:$0x1], $0xffff  }
0x1db: {  	v13 =	vld.idx.msk [tilespmem:v0+s21+$0x4010 ss:$0x1], $0xffff;
	[tilespmem:s21+$0x14080] =	vst v10;
	v10 =	vadd.f32 v15, v4  }
0x1dc: {  	v15 =	vld.idx.msk [tilespmem:v0+s21+$0x4090 ss:$0x1], $0xffff;
	[tilespmem:s21+$0x14100] =	vst v9;
	v9 =	vadd.f32 v16, v4  }
0x1dd: {  	v17 =	vadd.f32 v17, v4;
	v16 =	vld.idx.msk [tilespmem:v0+s21+$0x4110 ss:$0x1], $0xffff;
	[tilespmem:s20+$0x141C0] =	vst v10  }
0x1de: {  	[tilespmem:s20+$0x14040] =	vst v9;
	v9 =	vadd.f32 v14, v4;
	v10 =	vld.idx.msk [tilespmem:v0+s20+$0x41D0 ss:$0x1], $0xffff  }
0x1df: {  	v12 =	vadd.f32 v12, v1;
	v14 =	vld.idx.msk [tilespmem:v0+s20+$0x4050 ss:$0x1], $0xffff;
	[tilespmem:s20+$0x140C0] =	vst v17  }
0x1e0: {  	v11 =	vadd.f32 v11, v7;
	v17 =	vld.idx.msk [tilespmem:v0+s20+$0x40D0 ss:$0x1], $0xffff;
	[tilespmem:s20+$0x14140] =	vst v9  }
0x1e1: {  	v9 =	vadd.f32 v13, v7;
	v13 =	vld.idx.msk [tilespmem:v0+s20+$0x4150 ss:$0x1], $0xffff;
	[tilespmem:s19+$0x14070] =	vst v12  }
0x1e2: {  	v12 =	vadd.f32 v15, v7;
	[tilespmem:s21+$0x14190] =	vst v11;
	v11 =	vld.idx.msk [tilespmem:v0+s19+$0x40F0 ss:$0x1], $0xffff  }
0x1e3: {  	[tilespmem:s21+$0x14010] =	vst v9;
	v9 =	vadd.f32 v16, v7;
	v15 =	vld.idx.msk [tilespmem:v0+s21+$0x41A0 ss:$0x1], $0xffff  }
0x1e4: {  	v10 =	vadd.f32 v10, v3;
	v16 =	vld.idx.msk [tilespmem:v0+s21+$0x4020 ss:$0x1], $0xffff;
	[tilespmem:s21+$0x14090] =	vst v12  }
0x1e5: {  	v12 =	vld.idx.msk [tilespmem:v0+s21+$0x40A0 ss:$0x1], $0xffff;
	[tilespmem:s21+$0x14110] =	vst v9;
	v9 =	vadd.f32 v14, v3  }
0x1e6: {  	v17 =	vadd.f32 v17, v3;
	v14 =	vld.idx.msk [tilespmem:v0+s21+$0x4120 ss:$0x1], $0xffff;
	[tilespmem:s20+$0x141D0] =	vst v10  }
0x1e7: {  	[tilespmem:s20+$0x14050] =	vst v9;
	v9 =	vadd.f32 v13, v3;
	v13 =	vld.idx.msk [tilespmem:v0+s20+$0x41E0 ss:$0x1], $0xffff  }
0x1e8: {  	v11 =	vadd.f32 v11, v1;
	v18 =	vld.idx.msk [tilespmem:v0+s20+$0x4060 ss:$0x1], $0xffff;
	[tilespmem:s20+$0x140D0] =	vst v17  }
0x1e9: {  	v15 =	vadd.f32 v15, v8;
	v17 =	vld.idx.msk [tilespmem:v0+s20+$0x40E0 ss:$0x1], $0xffff;
	[tilespmem:s20+$0x14150] =	vst v9  }
0x1ea: {  	v16 =	vadd.f32 v16, v8;
	v10 =	vld.idx.msk [tilespmem:v0+s20+$0x4160 ss:$0x1], $0xffff;
	[tilespmem:s19+$0x140F0] =	vst v11  }
.Ltmp3:
0x1eb: {  	v11 =	vadd.f32 v12, v8;
	[tilespmem:s21+$0x141A0] =	vst v15;
	v9 =	vld.idx.msk [tilespmem:v0+s19+$0x4170 ss:$0x1], $0xffff;
	(pc) =	sbr.rel @p1 .LBB2_9-.Ltmp3, $4  }
0x1ec: {  	v12 =	vadd.f32 v14, v8;
	[tilespmem:s21+$0x14020] =	vst v16;
	v16 =	vld.idx.msk [tilespmem:v0+s21+$0x41B0 ss:$0x1], $0xffff  }
0x1ed: {  	v19 =	vadd.f32 v13, v2;
	v14 =	vld.idx.msk [tilespmem:v0+s21+$0x4030 ss:$0x1], $0xffff;
	[tilespmem:s21+$0x140A0] =	vst v11  }
0x1ee: {  	v13 =	vld.idx.msk [tilespmem:v0+s21+$0x40B0 ss:$0x1], $0xffff;
	[tilespmem:s21+$0x14120] =	vst v12;
	v12 =	vadd.f32 v18, v2  }
0x1ef: {  	s23 =	sadd.s32 $0x800, s23;
	v11 =	vadd.f32 v17, v2;
	v15 =	vld.idx.msk [tilespmem:v0+s21+$0x4130 ss:$0x1], $0xffff;
	[tilespmem:s20+$0x141E0] =	vst v19  }
0x1f0: {  	_ = 	snop  }
0x1f1: {  	v6 =	vadd.f32 v16, v5  }
0x1f2: {  	v7 =	vadd.f32 v14, v5  }
0x1f3: {  	v8 =	vadd.f32 v13, v5;
	[tilespmem:s21+$0x141B0] =	vst v6  }
0x1f4: {  	[tilespmem:s21+$0x14030] =	vst v7;
	v41 =	vadd.f32 v15, v5;
	v6 =	vld.idx.msk [tilespmem:v0+s21+$0x41C0 ss:$0x1], $0xffff  }
0x1f5: {  	v7 =	vld.idx.msk [tilespmem:v0+s21+$0x4040 ss:$0x1], $0xffff;
	[tilespmem:s21+$0x140B0] =	vst v8  }
0x1f6: {  	v8 =	vld.idx.msk [tilespmem:v0+s21+$0x40C0 ss:$0x1], $0xffff;
	[tilespmem:s21+$0x14130] =	vst v41  }
0x1f7: {  	v5 =	vld.idx.msk [tilespmem:v0+s21+$0x4140 ss:$0x1], $0xffff;
	_ =	sdelay $0x1  }
0x1f8: {  	v6 =	vadd.f32 v6, v4  }
0x1f9: {  	v7 =	vadd.f32 v7, v4  }
0x1fa: {  	v8 =	vadd.f32 v8, v4;
	[tilespmem:s21+$0x141C0] =	vst v6  }
0x1fb: {  	[tilespmem:s21+$0x14040] =	vst v7;
	v42 =	vadd.f32 v5, v4;
	v43 =	vld.idx.msk [tilespmem:v0+s21+$0x41D0 ss:$0x1], $0xffff  }
0x1fc: {  	v44 =	vld.idx.msk [tilespmem:v0+s21+$0x4050 ss:$0x1], $0xffff;
	[tilespmem:s21+$0x140C0] =	vst v8  }
0x1fd: {  	v45 =	vld.idx.msk [tilespmem:v0+s21+$0x40D0 ss:$0x1], $0xffff;
	[tilespmem:s21+$0x14140] =	vst v42  }
0x1fe: {  	v4 =	vld.idx.msk [tilespmem:v0+s21+$0x4150 ss:$0x1], $0xffff;
	_ =	sdelay $0x1  }
0x1ff: {  	v5 =	vadd.f32 v43, v3  }
0x200: {  	v6 =	vadd.f32 v44, v3  }
0x201: {  	v7 =	vadd.f32 v45, v3;
	[tilespmem:s21+$0x141D0] =	vst v5  }
0x202: {  	[tilespmem:s21+$0x14050] =	vst v6;
	v46 =	vadd.f32 v4, v3;
	v47 =	vld.idx.msk [tilespmem:v0+s21+$0x41E0 ss:$0x1], $0xffff  }
0x203: {  	v48 =	vld.idx.msk [tilespmem:v0+s21+$0x4060 ss:$0x1], $0xffff;
	[tilespmem:s21+$0x140D0] =	vst v7  }
0x204: {  	v49 =	vld.idx.msk [tilespmem:v0+s21+$0x40E0 ss:$0x1], $0xffff;
	[tilespmem:s21+$0x14150] =	vst v46  }
0x205: {  	[tilespmem:s20+$0x14060] =	vst v12;
	v50 =	vadd.f32 v10, v2;
	v51 =	vld.idx.msk [tilespmem:v0+s21+$0x4160 ss:$0x1], $0xffff  }
0x206: {  	v52 =	vld.idx.msk [tilespmem:v0+s20+$0x41F0 ss:$0x1], $0xffff;
	v9 =	vadd.f32 v9, v1;
	[tilespmem:s20+$0x140E0] =	vst v11  }
0x207: {  	[tilespmem:s20+$0x14160] =	vst v50;
	v54 =	vld.idx.msk [tilespmem:v0+s20+$0x40F0 ss:$0x1], $0xffff;
	v4 =	vadd.f32 v47, v2  }
0x208: {  	[tilespmem:s19+$0x14170] =	vst v9;
	v55 =	vld.idx.msk [tilespmem:v0+s20+$0x4170 ss:$0x1], $0xffff;
	v5 =	vadd.f32 v48, v2  }
0x209: {  	v53 =	vld.idx.msk [tilespmem:v0+s20+$0x4070 ss:$0x1], $0xffff;
	v6 =	vadd.f32 v49, v2;
	[tilespmem:s21+$0x141E0] =	vst v4  }
0x20a: {  	[tilespmem:s21+$0x14060] =	vst v5;
	v56 =	vadd.f32 v51, v2;
	v4 =	vld.idx.msk [tilespmem:v0+s21+$0x41F0 ss:$0x1], $0xffff  }
0x20b: {  	v57 =	vadd.f32 v52, v1;
	[tilespmem:s21+$0x140E0] =	vst v6;
	v58 =	vld.idx.msk [tilespmem:v0+s21+$0x4070 ss:$0x1], $0xffff  }
0x20c: {  	v60 =	vadd.f32 v54, v1;
	[tilespmem:s21+$0x14160] =	vst v56;
	v59 =	vld.idx.msk [tilespmem:v0+s21+$0x40F0 ss:$0x1], $0xffff  }
0x20d: {  	[tilespmem:s20+$0x141F0] =	vst v57;
	v62 =	vadd.f32 v55, v1;
	v61 =	vld.idx.msk [tilespmem:v0+s21+$0x4170 ss:$0x1], $0xffff  }
0x20e: {  	[tilespmem:s20+$0x140F0] =	vst v60;
	v3 =	vadd.f32 v53, v1  }
0x20f: {  	s16 =	sadd.s32 $0x1, s16;
	[tilespmem:s20+$0x14170] =	vst v62;
	v4 =	vadd.f32 v4, v1  }
0x210: {  	p1 =	sne.s32 s16, $0x20;
	[tilespmem:s20+$0x14070] =	vst v3;
	v63 =	vadd.f32 v58, v1  }
.Ltmp4:
0x211: {  	[tilespmem:s21+$0x141F0] =	vst v4;
	v2 =	vadd.f32 v59, v1;
	(pc) =	sbr.rel @p1 .LBB2_6-.Ltmp4, $4  }
0x212: {  	[tilespmem:s21+$0x14070] =	vst v63;
	v0 =	vadd.f32 v61, v1  }
0x213: {  	s18 =	sshll.u32 s18, $0x4;
	s17 =	sadd.s32 s3, s17;
	[tilespmem:s21+$0x140F0] =	vst v2  }
0x214: {  	p0 =	por !p0, !p0;
	s17 =	sadd.s32 s18, s17;
	[tilespmem:s21+$0x14170] =	vst v0  }
0x215: {  	[hbm4b:s17+s4] =	stream.linear.scatter [tilespmem:s12], [sflag:$0x2], $0x4000, $0x38;
	[tilespmem:$0x18000] =	vst v63  }
0x216: {  	s15 =	sadd.s32 $0x1, s15  }
0x217: {  	_ =	swait.ge [sflag:s13], $0x4000;
	p0 =	sne.s32 s15, s9  }
.Ltmp5:
0x218: {  	[sflag:s13] =	ssyncset.done $0x0;
	(pc) =	sbr.rel @p0 .LBB2_1-.Ltmp5, $4  }
0x219: {  	[sflag:s13] =	ssyncadd.s32 $0xFFFFC000  }
0x21a: {  	_ =	swait.ge [sflag:s14], $0x4000  }
0x21b: {  	[sflag:s14] =	ssyncset.done $0x0  }
0x21c: {  	[sflag:s14] =	ssyncadd.s32 $0xFFFFC000  }
0x21d: {  	_ =	sfence.sel $0x180000  }
0x21e: {  	[bflag:$0x0] =	sbarrier.arrive $0xFFFF  }
0x21f: {  	p0 =	sne.s32 s1, $0x0;
	_ =	strace $0x90000047  }
0x220: {  	s0 =	sadd.s32 @!p0 $0x100000, s0;
	[bflag:$0x2] =	sbarrier.arrive $0xFFFF  }
0x221: {  	[sflag:s0] =	ssyncadd.tile.s32 @!p0 $0x1;
	_ =	shalt  }
.Lfunc_end2:
_tile_overlayer_lowered:
.L_overlay_start_2:
0x222: {  	(tag) =	ssettag $0x2  }
0x223: {  	s0 =	rddreg [dreg:$0x0];
	s2 =	stileid.u32  }
0x224: {  	s1 =	rddreg [dreg:$0x1];
	p0 =	sne.s32 s2, $0x0  }
0x225: {  	s3 =	rddreg [dreg:$0x2];
	[bflag:$0x3] =	sbarrier.arrive $0xFFFF;
	s2 =	simm.s32 @!p0 $0x1C03  }
0x226: {  	[timem:s3], [sflag:s2] =	dma.local @!p0 [hbm:s0], s1  }
0x227: {  	s0 =	simm.s32 @!p0 $0x3  }
0x228: {  	_ =	swait.ge @!p0 [sflag:s0], s1  }
0x229: {  	s1 =	ssub.s32 @!p0 $0x0, s1;
	[sflag:s0] =	ssyncset.done @!p0 $0x0  }
0x22a: {  	[sflag:s0] =	ssyncadd.s32 @!p0 s1  }
0x22b: {  	[bflag:$0x3] =	sbarrier.arrive $0xFFFF  }
0x22c: {  	_ =	shalt  }

</sc_bundles>
